<compile_context>
chip_gen: v7x
topology: tpu7x:2x2x1
jax: 0.10.2.dev20260603
libtpu: 0.0.44.dev20260713+nightly
codegen_flags: <defaults>
</compile_context>

<pallas_src>
import jax
import jax.numpy as jnp
from jax import lax
from jax.experimental import pallas as pl
from jax.experimental.pallas import tpu as pltpu
from jax.experimental.pallas import tpu_sc as plsc

N = 10000
E = 320000
DIN = 128
D = 16
NC = 2
NS = 16
NW = NC * NS
EPT = E // NW
CH = 1000
NCH = EPT // CH
NP = 10240
NPS = NP // NS
NPQ = NP // D
RB = 2000
RB2 = 2048

_mesh = plsc.VectorSubcoreMesh(core_axis_name="c", subcore_axis_name="s")


def _deg_body(dst_hbm, out_hbm, dst_v, hist, sem0):
    c = lax.axis_index("c")
    s = lax.axis_index("s")
    wid = c * NS + s
    stage = pltpu.make_async_copy(dst_hbm.at[wid], dst_v, sem0)
    stage.start()
    zero_row = jnp.zeros((D,), jnp.float32)

    def zbody(i, carry):
        for k in range(5):
            hist[i * 5 + k, :] = zero_row
        return carry

    lax.fori_loop(0, NPQ // 5, zbody, 0)
    stage.wait()
    ones = jnp.full((D,), 1.0, jnp.float32)

    def chunk(i, carry):
        for k in range(5):
            idx = dst_v[pl.ds((i * 5 + k) * D, D)]
            plsc.addupdate_scatter(
                hist, [idx >> 4, idx & 15], ones
            )
        return carry

    lax.fori_loop(0, EPT // D // 5, chunk, 0)
    pltpu.sync_copy(hist, out_hbm.at[wid])


_deg_kernel = pl.kernel(
    _deg_body,
    out_type=jax.ShapeDtypeStruct((NW, NPQ, D), jnp.float32),
    mesh=_mesh,
    compiler_params=pltpu.CompilerParams(
        use_tc_tiling_on_sc=False, needs_layout_passes=False
    ),
    scratch_types=[
        pltpu.VMEM((EPT,), jnp.int32),
        pltpu.VMEM((NPQ, D), jnp.float32),
        pltpu.SemaphoreType.DMA,
    ],
)


def _agg_body(tbl_hbm, src_hbm, dst_hbm, out_hbm, src_v, dst_v, rows0, rows1, acc,
              sem0, sem1):
    c = lax.axis_index("c")
    s = lax.axis_index("s")
    wid = c * NS + s
    stage_s = pltpu.make_async_copy(src_hbm.at[wid], src_v, sem0)
    stage_s.start()
    stage_d = pltpu.make_async_copy(dst_hbm.at[wid], dst_v, sem1)
    stage_d.start()
    r0 = s * NPS
    pltpu.sync_copy(tbl_hbm.at[pl.ds(r0, NPS)], acc.at[pl.ds(r0, NPS)])
    stage_s.wait()
    stage_d.wait()
    plsc.subcore_barrier()

    pltpu.make_async_copy(tbl_hbm.at[src_v.at[0]], rows0, sem0).start()

    def body2(jj, carry):
        j0 = 2 * jj
        j1 = j0 + 1
        pltpu.make_async_copy(tbl_hbm.at[src_v.at[j1]], rows1, sem1).start()
        pltpu.make_async_copy(tbl_hbm.at[src_v.at[j0]], rows0, sem0).wait()
        pltpu.sync_copy(rows0, acc.at[dst_v.at[j0]], add=True)

        @pl.when(j0 + 2 < NCH)
        def _():
            pltpu.make_async_copy(tbl_hbm.at[src_v.at[j0 + 2]], rows0, sem0).start()

        pltpu.make_async_copy(tbl_hbm.at[src_v.at[j1]], rows1, sem1).wait()
        pltpu.sync_copy(rows1, acc.at[dst_v.at[j1]], add=True)
        return carry

    lax.fori_loop(0, NCH // 2, body2, 0)
    plsc.subcore_barrier()
    pltpu.sync_copy(acc.at[pl.ds(r0, NPS)], out_hbm.at[c, pl.ds(r0, NPS)])


_agg_kernel = pl.kernel(
    _agg_body,
    out_type=jax.ShapeDtypeStruct((NC, NP, D), jnp.float32),
    mesh=_mesh,
    compiler_params=pltpu.CompilerParams(use_tc_tiling_on_sc=False),
    scratch_types=[
        pltpu.VMEM((NCH, CH), jnp.int32),
        pltpu.VMEM((NCH, CH), jnp.int32),
        pltpu.VMEM((CH, D), jnp.float32),
        pltpu.VMEM((CH, D), jnp.float32),
        pltpu.VMEM_SHARED((NP, D), jnp.float32),
        pltpu.SemaphoreType.DMA,
        pltpu.SemaphoreType.DMA,
    ],
)


def _tc1_body(x_ref, w_ref, dacc_ref, g_ref, dis_ref):
    h = jnp.dot(
        x_ref[...].astype(jnp.bfloat16),
        w_ref[...].astype(jnp.bfloat16),
        preferred_element_type=jnp.float32,
    )
    deg = jnp.sum(dacc_ref[...], axis=0) + 1.0
    disq = 1.0 / jnp.sqrt(deg)
    rowid = lax.broadcasted_iota(jnp.int32, (RB2, RB2 // D), 0)
    colid = lax.broadcasted_iota(jnp.int32, (RB2, RB2 // D), 1)
    sel = ((rowid >> 4) == colid).astype(jnp.float32)
    pick = jnp.dot(sel, disq, preferred_element_type=jnp.float32,
                   precision=lax.Precision.HIGHEST)
    lane = lax.broadcasted_iota(jnp.int32, (RB2, D), 1)
    rmod = lax.broadcasted_iota(jnp.int32, (RB2, D), 0) & 15
    dis_col = jnp.sum(jnp.where(lane == rmod, pick, 0.0), axis=1, keepdims=True)
    dis_ref[...] = jnp.broadcast_to(dis_col, (RB2, D))
    g_ref[...] = h * dis_col


def _tc1(x, W1, dacc):
    return pl.pallas_call(
        _tc1_body,
        grid=(NP // RB2,),
        in_specs=[
            pl.BlockSpec((RB2, DIN), lambda i: (i, 0)),
            pl.BlockSpec((DIN, D), lambda i: (0, 0)),
            pl.BlockSpec((NW, RB2 // D, D), lambda i: (0, i, 0)),
        ],
        out_specs=(
            pl.BlockSpec((RB2, D), lambda i: (i, 0)),
            pl.BlockSpec((RB2, D), lambda i: (i, 0)),
        ),
        out_shape=(
            jax.ShapeDtypeStruct((NP, D), jnp.float32),
            jax.ShapeDtypeStruct((NP, D), jnp.float32),
        ),
    )(x, W1, dacc)


def _tc2_body(acc_ref, g_ref, dis_ref, w_ref, b_ref, out_ref):
    z = dis_ref[...] * (acc_ref[0] + acc_ref[1] - g_ref[...]) + b_ref[...]
    z = jnp.maximum(z, 0.0)
    out_ref[...] = (
        jnp.dot(
            z.astype(jnp.bfloat16),
            w_ref[...].astype(jnp.bfloat16),
            preferred_element_type=jnp.float32,
        )
        * dis_ref[...]
    )


def _tc2(acc, g, dis, W2, b1):
    return pl.pallas_call(
        _tc2_body,
        grid=(N // RB,),
        in_specs=[
            pl.BlockSpec((NC, RB, D), lambda i: (0, i, 0)),
            pl.BlockSpec((RB, D), lambda i: (i, 0)),
            pl.BlockSpec((RB, D), lambda i: (i, 0)),
            pl.BlockSpec((D, D), lambda i: (0, 0)),
            pl.BlockSpec((1, D), lambda i: (0, 0)),
        ],
        out_specs=pl.BlockSpec((RB, D), lambda i: (i, 0)),
        out_shape=jax.ShapeDtypeStruct((NP, D), jnp.float32),
    )(acc, g, dis, W2, b1)


def _tc3_body(acc_ref, g_ref, dis_ref, b_ref, wl_ref, bl_ref, out_ref):
    z = dis_ref[...] * (acc_ref[0] + acc_ref[1] - g_ref[...]) + b_ref[...]
    z = jnp.maximum(z, 0.0)
    zb = z.astype(jnp.bfloat16).astype(jnp.float32)
    wlb = wl_ref[...].astype(jnp.bfloat16).astype(jnp.float32)
    out_ref[...] = jnp.sum(zb * wlb, axis=1, keepdims=True) + bl_ref[...]


def _tc3(acc, g, dis, b2, wl, bl):
    return pl.pallas_call(
        _tc3_body,
        grid=(N // RB,),
        in_specs=[
            pl.BlockSpec((NC, RB, D), lambda i: (0, i, 0)),
            pl.BlockSpec((RB, D), lambda i: (i, 0)),
            pl.BlockSpec((RB, D), lambda i: (i, 0)),
            pl.BlockSpec((1, D), lambda i: (0, 0)),
            pl.BlockSpec((1, D), lambda i: (0, 0)),
            pl.BlockSpec((1, 1), lambda i: (0, 0)),
        ],
        out_specs=pl.BlockSpec((RB, 1), lambda i: (i, 0)),
        out_shape=jax.ShapeDtypeStruct((N, 1), jnp.float32),
    )(acc, g, dis, b2, wl, bl)


def kernel(x, edge_index, W1, b1, W2, b2, Wlin, blin):
    src = edge_index[0].reshape(NW, NCH, CH)
    dst = edge_index[1].reshape(NW, NCH, CH)
    dst_d = edge_index[1].reshape(NW, EPT)
    dacc = _deg_kernel(dst_d)
    g1, dis = _tc1(x, W1, dacc)
    acc1 = _agg_kernel(g1, src, dst)
    g2 = _tc2(acc1, g1, dis, W2, b1.reshape(1, D))
    acc2 = _agg_kernel(g2, src, dst)
    out = _tc3(acc2, g2, dis, b2.reshape(1, D), Wlin.reshape(1, D), blin.reshape(1, 1))
    return jnp.squeeze(out)

# --- scband reference (transcript-rebuilt; emitter-appended) ---
"""Pipeline reference for scband-gcnconv-net-for-regression-89223650607760 (READ-ONLY COPY).

The authoritative reference and input builder live on the scoring server;
editing this copy changes nothing except your own understanding.
"""

import jax, jax.numpy as jnp
import numpy as np

N_NODES = 10000
N_EDGES = 320000
D_IN = 128
D_HID = 16


def gcn_conv(x, edge_index, W, b):
    # Faithful GCNConv: x' = D^{-1/2} (A + I) D^{-1/2} (X W) + b
    n = x.shape[0]
    h = x @ W
    src = edge_index[0]
    dst = edge_index[1]
    loop = jnp.arange(n, dtype=src.dtype)
    src = jnp.concatenate([src, loop])
    dst = jnp.concatenate([dst, loop])
    deg = jnp.zeros((n,), h.dtype).at[dst].add(1.0)
    deg_inv_sqrt = jnp.where(deg > 0, 1.0 / jnp.sqrt(deg), 0.0)
    norm = deg_inv_sqrt[src] * deg_inv_sqrt[dst]
    msg = h[src] * norm[:, None]
    out = jax.ops.segment_sum(msg, dst, num_segments=n)
    return out + b


def setup_inputs(seed: int = 0) -> dict:
    key = jax.random.key(seed)
    ks = jax.random.split(key, 8)
    x = jax.random.normal(ks[0], (N_NODES, D_IN), dtype=jnp.float32)
    edge_index = jax.random.randint(ks[1], (2, N_EDGES), 0, N_NODES, dtype=jnp.int32)
    W1 = jax.random.normal(ks[2], (D_IN, D_HID), dtype=jnp.float32) * (1.0 / np.sqrt(D_IN))
    b1 = jnp.zeros((D_HID,), dtype=jnp.float32)
    W2 = jax.random.normal(ks[3], (D_HID, D_HID), dtype=jnp.float32) * (1.0 / np.sqrt(D_HID))
    b2 = jnp.zeros((D_HID,), dtype=jnp.float32)
    Wlin = jax.random.normal(ks[4], (D_HID, 1), dtype=jnp.float32) * (1.0 / np.sqrt(D_HID))
    blin = jnp.zeros((1,), dtype=jnp.float32)
    return {"x": x, "edge_index": edge_index, "W1": W1, "b1": b1, "W2": W2, "b2": b2, "Wlin": Wlin, "blin": blin}


def reference(x, edge_index, W1, b1, W2, b2, Wlin, blin):
    h = gcn_conv(x, edge_index, W1, b1)
    h = jax.nn.relu(h)
    # dropout is identity in eval mode
    h = gcn_conv(h, edge_index, W2, b2)
    h = jax.nn.relu(h)
    out = h @ Wlin + blin
    return jnp.squeeze(out)

if __name__ == "__main__":
    import jax
    _d = setup_inputs()
    print(jax.jit(kernel)(*tuple(_d.values())))

</pallas_src>

<mosaic_0001>
#map = affine_map<(d0, d1) -> (0, 0)>
#map1 = affine_map<(d0, d1) -> (0, 0, 0)>
module attributes {stable_mosaic.version = 14 : i64} {
  func.func @_deg_body(%arg0: i32, %arg1: i32, %arg2: memref<32x10000xi32, #tpu.memory_space<hbm>>, %arg3: memref<32x640x16xf32, #tpu.memory_space<hbm>>, %arg4: memref<10000xi32, #tpu.memory_space<vmem>>, %arg5: memref<640x16xf32, #tpu.memory_space<vmem>>, %arg6: memref<!tpu.dma_semaphore, #tpu.memory_space<semaphore_mem>>) attributes {dimension_semantics = [#tpu.dimension_semantics<core_parallel>, #tpu.dimension_semantics<subcore_parallel>], iteration_bounds = array<i64: 2, 16>, scalar_prefetch = 0 : i64, scratch_operands = 3 : i64, tpu.core_type = #tpu.core_type<sc_vector_subcore>, window_params = [{transform_indices = #map}, {transform_indices = #map1}]} {
    %mul3A = arith.constant 16 : i32
    %mul3A_0 = arith.muli %arg0, %mul3A : i32
    %add3A = arith.addi %mul3A_0, %arg1 : i32
    %dma_start3A = arith.constant 0 : i32
    %dma_start3A_1 = tpu.memref_slice %arg2[%add3A, %dma_start3A] : memref<32x10000xi32, #tpu.memory_space<hbm>> -> memref<1x10000xi32, #tpu.memory_space<hbm>>
    %dma_start3A_2 = tpu.memref_squeeze %dma_start3A_1 : memref<1x10000xi32, #tpu.memory_space<hbm>> -> memref<10000xi32, #tpu.memory_space<hbm>>
    %dma_start3A_3 = arith.constant 0 : i32
    %dma_start3A_4 = tpu.memref_slice %arg2[%add3A, %dma_start3A_3] : memref<32x10000xi32, #tpu.memory_space<hbm>> -> memref<1x10000xi32, #tpu.memory_space<hbm>>
    %dma_start3A_5 = tpu.memref_squeeze %dma_start3A_4 : memref<1x10000xi32, #tpu.memory_space<hbm>> -> memref<10000xi32, #tpu.memory_space<hbm>>
    tpu.enqueue_dma source(%dma_start3A_5 : memref<10000xi32, #tpu.memory_space<hbm>>) target(%arg4 : memref<10000xi32, #tpu.memory_space<vmem>>) target_semaphore(%arg6 : memref<!tpu.dma_semaphore, #tpu.memory_space<semaphore_mem>>)
    %broadcast_in_dim3A = arith.constant 0.000000e+00 : f32
    %broadcast_in_dim3A_6 = vector.broadcast %broadcast_in_dim3A : f32 to vector<16xf32>
    %scan3A = arith.constant 0 : i32
    %scan3A_7 = arith.constant 0 : i32
    %scan3A_8 = arith.constant 128 : i32
    %scan3A_9 = arith.addi %scan3A_7, %scan3A_8 : i32
    %scan3A_10 = arith.constant 1 : i32
    scf.for %scan3A_25 = %scan3A_7 to %scan3A_9 step %scan3A_10  : i32 {
      %mul3A_26 = arith.constant 5 : i32
      %mul3A_27 = arith.muli %scan3A_25, %mul3A_26 : i32
      %add3A_28 = arith.constant 0 : i32
      %add3A_29 = arith.addi %mul3A_27, %add3A_28 : i32
      %swap3A = arith.index_cast %add3A_29 : i32 to index
      %swap3A_30 = arith.constant 0 : index
      %swap3A_31 = tpu.vector_load %arg5[%swap3A, %swap3A_30] {strides = array<i32>} : memref<640x16xf32, #tpu.memory_space<vmem>>, vector<16xf32>,
      tpu.vector_store %arg5[%swap3A, %swap3A_30], %broadcast_in_dim3A_6 {strides = array<i32>} : memref<640x16xf32, #tpu.memory_space<vmem>>, vector<16xf32>,
      %mul3A_32 = arith.constant 5 : i32
      %mul3A_33 = arith.muli %scan3A_25, %mul3A_32 : i32
      %add3A_34 = arith.constant 1 : i32
      %add3A_35 = arith.addi %mul3A_33, %add3A_34 : i32
      %swap3A_36 = arith.index_cast %add3A_35 : i32 to index
      %swap3A_37 = arith.constant 0 : index
      %swap3A_38 = tpu.vector_load %arg5[%swap3A_36, %swap3A_37] {strides = array<i32>} : memref<640x16xf32, #tpu.memory_space<vmem>>, vector<16xf32>,
      tpu.vector_store %arg5[%swap3A_36, %swap3A_37], %broadcast_in_dim3A_6 {strides = array<i32>} : memref<640x16xf32, #tpu.memory_space<vmem>>, vector<16xf32>,
      %mul3A_39 = arith.constant 5 : i32
      %mul3A_40 = arith.muli %scan3A_25, %mul3A_39 : i32
      %add3A_41 = arith.constant 2 : i32
      %add3A_42 = arith.addi %mul3A_40, %add3A_41 : i32
      %swap3A_43 = arith.index_cast %add3A_42 : i32 to index
      %swap3A_44 = arith.constant 0 : index
      %swap3A_45 = tpu.vector_load %arg5[%swap3A_43, %swap3A_44] {strides = array<i32>} : memref<640x16xf32, #tpu.memory_space<vmem>>, vector<16xf32>,
      tpu.vector_store %arg5[%swap3A_43, %swap3A_44], %broadcast_in_dim3A_6 {strides = array<i32>} : memref<640x16xf32, #tpu.memory_space<vmem>>, vector<16xf32>,
      %mul3A_46 = arith.constant 5 : i32
      %mul3A_47 = arith.muli %scan3A_25, %mul3A_46 : i32
      %add3A_48 = arith.constant 3 : i32
      %add3A_49 = arith.addi %mul3A_47, %add3A_48 : i32
      %swap3A_50 = arith.index_cast %add3A_49 : i32 to index
      %swap3A_51 = arith.constant 0 : index
      %swap3A_52 = tpu.vector_load %arg5[%swap3A_50, %swap3A_51] {strides = array<i32>} : memref<640x16xf32, #tpu.memory_space<vmem>>, vector<16xf32>,
      tpu.vector_store %arg5[%swap3A_50, %swap3A_51], %broadcast_in_dim3A_6 {strides = array<i32>} : memref<640x16xf32, #tpu.memory_space<vmem>>, vector<16xf32>,
      %mul3A_53 = arith.constant 5 : i32
      %mul3A_54 = arith.muli %scan3A_25, %mul3A_53 : i32
      %add3A_55 = arith.constant 4 : i32
      %add3A_56 = arith.addi %mul3A_54, %add3A_55 : i32
      %swap3A_57 = arith.index_cast %add3A_56 : i32 to index
      %swap3A_58 = arith.constant 0 : index
      %swap3A_59 = tpu.vector_load %arg5[%swap3A_57, %swap3A_58] {strides = array<i32>} : memref<640x16xf32, #tpu.memory_space<vmem>>, vector<16xf32>,
      tpu.vector_store %arg5[%swap3A_57, %swap3A_58], %broadcast_in_dim3A_6 {strides = array<i32>} : memref<640x16xf32, #tpu.memory_space<vmem>>, vector<16xf32>,
    }
    %scan3A_11 = arith.constant 128 : i32
    %dma_wait3A = arith.constant 0 : i32
    %dma_wait3A_12 = tpu.memref_slice %arg2[%add3A, %dma_wait3A] : memref<32x10000xi32, #tpu.memory_space<hbm>> -> memref<1x10000xi32, #tpu.memory_space<hbm>>
    %dma_wait3A_13 = tpu.memref_squeeze %dma_wait3A_12 : memref<1x10000xi32, #tpu.memory_space<hbm>> -> memref<10000xi32, #tpu.memory_space<hbm>>
    %dma_wait3A_14 = arith.constant 0 : i32
    %dma_wait3A_15 = tpu.memref_slice %arg2[%add3A, %dma_wait3A_14] : memref<32x10000xi32, #tpu.memory_space<hbm>> -> memref<1x10000xi32, #tpu.memory_space<hbm>>
    %dma_wait3A_16 = tpu.memref_squeeze %dma_wait3A_15 : memref<1x10000xi32, #tpu.memory_space<hbm>> -> memref<10000xi32, #tpu.memory_space<hbm>>
    tpu.wait_dma2 semaphore(%arg6 : memref<!tpu.dma_semaphore, #tpu.memory_space<semaphore_mem>>) src(%dma_wait3A_16 : memref<10000xi32, #tpu.memory_space<hbm>>) dst(%arg4 : memref<10000xi32, #tpu.memory_space<vmem>>)
    %broadcast_in_dim3A_17 = arith.constant 1.000000e+00 : f32
    %broadcast_in_dim3A_18 = vector.broadcast %broadcast_in_dim3A_17 : f32 to vector<16xf32>
    %scan3A_19 = arith.constant 0 : i32
    %scan3A_20 = arith.constant 0 : i32
    %scan3A_21 = arith.constant 125 : i32
    %scan3A_22 = arith.addi %scan3A_20, %scan3A_21 : i32
    %scan3A_23 = arith.constant 1 : i32
    scf.for %scan3A_25 = %scan3A_20 to %scan3A_22 step %scan3A_23  : i32 {
      %mul3A_26 = arith.constant 5 : i32
      %mul3A_27 = arith.muli %scan3A_25, %mul3A_26 : i32
      %add3A_28 = arith.constant 0 : i32
      %add3A_29 = arith.addi %mul3A_27, %add3A_28 : i32
      %mul3A_30 = arith.constant 16 : i32
      %mul3A_31 = arith.muli %add3A_29, %mul3A_30 : i32
      %get3A = arith.index_cast %mul3A_31 : i32 to index
      %get3A_32 = tpu.vector_load %arg4[%get3A] {strides = array<i32>} : memref<10000xi32, #tpu.memory_space<vmem>>, vector<16xi32>,
      %shift_right_arithmetic3A = arith.constant 4 : i32
      %shift_right_arithmetic3A_33 = vector.broadcast %shift_right_arithmetic3A : i32 to vector<16xi32>
      %shift_right_arithmetic3A_34 = arith.shrsi %get3A_32, %shift_right_arithmetic3A_33 : vector<16xi32>
      %and3A = arith.constant 15 : i32
      %and3A_35 = vector.broadcast %and3A : i32 to vector<16xi32>
      %and3A_36 = arith.andi %get3A_32, %and3A_35 : vector<16xi32>
      tpu.vector_store_idx %arg5[%shift_right_arithmetic3A_34, %and3A_36], %broadcast_in_dim3A_18 {add = true} : memref<640x16xf32, #tpu.memory_space<vmem>>[vector<16xi32>, vector<16xi32>], vector<16xf32>,
      %mul3A_37 = arith.constant 5 : i32
      %mul3A_38 = arith.muli %scan3A_25, %mul3A_37 : i32
      %add3A_39 = arith.constant 1 : i32
      %add3A_40 = arith.addi %mul3A_38, %add3A_39 : i32
      %mul3A_41 = arith.constant 16 : i32
      %mul3A_42 = arith.muli %add3A_40, %mul3A_41 : i32
      %get3A_43 = arith.index_cast %mul3A_42 : i32 to index
      %get3A_44 = tpu.vector_load %arg4[%get3A_43] {strides = array<i32>} : memref<10000xi32, #tpu.memory_space<vmem>>, vector<16xi32>,
      %shift_right_arithmetic3A_45 = arith.constant 4 : i32
      %shift_right_arithmetic3A_46 = vector.broadcast %shift_right_arithmetic3A_45 : i32 to vector<16xi32>
      %shift_right_arithmetic3A_47 = arith.shrsi %get3A_44, %shift_right_arithmetic3A_46 : vector<16xi32>
      %and3A_48 = arith.constant 15 : i32
      %and3A_49 = vector.broadcast %and3A_48 : i32 to vector<16xi32>
      %and3A_50 = arith.andi %get3A_44, %and3A_49 : vector<16xi32>
      tpu.vector_store_idx %arg5[%shift_right_arithmetic3A_47, %and3A_50], %broadcast_in_dim3A_18 {add = true} : memref<640x16xf32, #tpu.memory_space<vmem>>[vector<16xi32>, vector<16xi32>], vector<16xf32>,
      %mul3A_51 = arith.constant 5 : i32
      %mul3A_52 = arith.muli %scan3A_25, %mul3A_51 : i32
      %add3A_53 = arith.constant 2 : i32
      %add3A_54 = arith.addi %mul3A_52, %add3A_53 : i32
      %mul3A_55 = arith.constant 16 : i32
      %mul3A_56 = arith.muli %add3A_54, %mul3A_55 : i32
      %get3A_57 = arith.index_cast %mul3A_56 : i32 to index
      %get3A_58 = tpu.vector_load %arg4[%get3A_57] {strides = array<i32>} : memref<10000xi32, #tpu.memory_space<vmem>>, vector<16xi32>,
      %shift_right_arithmetic3A_59 = arith.constant 4 : i32
      %shift_right_arithmetic3A_60 = vector.broadcast %shift_right_arithmetic3A_59 : i32 to vector<16xi32>
      %shift_right_arithmetic3A_61 = arith.shrsi %get3A_58, %shift_right_arithmetic3A_60 : vector<16xi32>
      %and3A_62 = arith.constant 15 : i32
      %and3A_63 = vector.broadcast %and3A_62 : i32 to vector<16xi32>
      %and3A_64 = arith.andi %get3A_58, %and3A_63 : vector<16xi32>
      tpu.vector_store_idx %arg5[%shift_right_arithmetic3A_61, %and3A_64], %broadcast_in_dim3A_18 {add = true} : memref<640x16xf32, #tpu.memory_space<vmem>>[vector<16xi32>, vector<16xi32>], vector<16xf32>,
      %mul3A_65 = arith.constant 5 : i32
      %mul3A_66 = arith.muli %scan3A_25, %mul3A_65 : i32
      %add3A_67 = arith.constant 3 : i32
      %add3A_68 = arith.addi %mul3A_66, %add3A_67 : i32
      %mul3A_69 = arith.constant 16 : i32
      %mul3A_70 = arith.muli %add3A_68, %mul3A_69 : i32
      %get3A_71 = arith.index_cast %mul3A_70 : i32 to index
      %get3A_72 = tpu.vector_load %arg4[%get3A_71] {strides = array<i32>} : memref<10000xi32, #tpu.memory_space<vmem>>, vector<16xi32>,
      %shift_right_arithmetic3A_73 = arith.constant 4 : i32
      %shift_right_arithmetic3A_74 = vector.broadcast %shift_right_arithmetic3A_73 : i32 to vector<16xi32>
      %shift_right_arithmetic3A_75 = arith.shrsi %get3A_72, %shift_right_arithmetic3A_74 : vector<16xi32>
      %and3A_76 = arith.constant 15 : i32
      %and3A_77 = vector.broadcast %and3A_76 : i32 to vector<16xi32>
      %and3A_78 = arith.andi %get3A_72, %and3A_77 : vector<16xi32>
      tpu.vector_store_idx %arg5[%shift_right_arithmetic3A_75, %and3A_78], %broadcast_in_dim3A_18 {add = true} : memref<640x16xf32, #tpu.memory_space<vmem>>[vector<16xi32>, vector<16xi32>], vector<16xf32>,
      %mul3A_79 = arith.constant 5 : i32
      %mul3A_80 = arith.muli %scan3A_25, %mul3A_79 : i32
      %add3A_81 = arith.constant 4 : i32
      %add3A_82 = arith.addi %mul3A_80, %add3A_81 : i32
      %mul3A_83 = arith.constant 16 : i32
      %mul3A_84 = arith.muli %add3A_82, %mul3A_83 : i32
      %get3A_85 = arith.index_cast %mul3A_84 : i32 to index
      %get3A_86 = tpu.vector_load %arg4[%get3A_85] {strides = array<i32>} : memref<10000xi32, #tpu.memory_space<vmem>>, vector<16xi32>,
      %shift_right_arithmetic3A_87 = arith.constant 4 : i32
      %shift_right_arithmetic3A_88 = vector.broadcast %shift_right_arithmetic3A_87 : i32 to vector<16xi32>
      %shift_right_arithmetic3A_89 = arith.shrsi %get3A_86, %shift_right_arithmetic3A_88 : vector<16xi32>
      %and3A_90 = arith.constant 15 : i32
      %and3A_91 = vector.broadcast %and3A_90 : i32 to vector<16xi32>
      %and3A_92 = arith.andi %get3A_86, %and3A_91 : vector<16xi32>
      tpu.vector_store_idx %arg5[%shift_right_arithmetic3A_89, %and3A_92], %broadcast_in_dim3A_18 {add = true} : memref<640x16xf32, #tpu.memory_space<vmem>>[vector<16xi32>, vector<16xi32>], vector<16xf32>,
    }
    %scan3A_24 = arith.constant 125 : i32
    "tpu.region"() ({
      %run_scoped3A = tpu.sem_alloc : memref<!tpu.dma_semaphore, #tpu.memory_space<semaphore_mem>>
      %dma_start3A_25 = arith.constant 0 : i32
      %dma_start3A_26 = arith.constant 0 : i32
      %dma_start3A_27 = tpu.memref_slice %arg3[%add3A, %dma_start3A_25, %dma_start3A_26] : memref<32x640x16xf32, #tpu.memory_space<hbm>> -> memref<1x640x16xf32, #tpu.memory_space<hbm>>
      %dma_start3A_28 = tpu.memref_squeeze %dma_start3A_27 : memref<1x640x16xf32, #tpu.memory_space<hbm>> -> memref<640x16xf32, #tpu.memory_space<hbm>>
      %dma_start3A_29 = arith.constant 0 : i32
      %dma_start3A_30 = arith.constant 0 : i32
      %dma_start3A_31 = tpu.memref_slice %arg3[%add3A, %dma_start3A_29, %dma_start3A_30] : memref<32x640x16xf32, #tpu.memory_space<hbm>> -> memref<1x640x16xf32, #tpu.memory_space<hbm>>
      %dma_start3A_32 = tpu.memref_squeeze %dma_start3A_31 : memref<1x640x16xf32, #tpu.memory_space<hbm>> -> memref<640x16xf32, #tpu.memory_space<hbm>>
      tpu.enqueue_dma source(%arg5 : memref<640x16xf32, #tpu.memory_space<vmem>>) target(%dma_start3A_32 : memref<640x16xf32, #tpu.memory_space<hbm>>) target_semaphore(%run_scoped3A : memref<!tpu.dma_semaphore, #tpu.memory_space<semaphore_mem>>)
      %dma_wait3A_33 = arith.constant 0 : i32
      %dma_wait3A_34 = arith.constant 0 : i32
      %dma_wait3A_35 = tpu.memref_slice %arg3[%add3A, %dma_wait3A_33, %dma_wait3A_34] : memref<32x640x16xf32, #tpu.memory_space<hbm>> -> memref<1x640x16xf32, #tpu.memory_space<hbm>>
      %dma_wait3A_36 = tpu.memref_squeeze %dma_wait3A_35 : memref<1x640x16xf32, #tpu.memory_space<hbm>> -> memref<640x16xf32, #tpu.memory_space<hbm>>
      %dma_wait3A_37 = arith.constant 0 : i32
      %dma_wait3A_38 = arith.constant 0 : i32
      %dma_wait3A_39 = tpu.memref_slice %arg3[%add3A, %dma_wait3A_37, %dma_wait3A_38] : memref<32x640x16xf32, #tpu.memory_space<hbm>> -> memref<1x640x16xf32, #tpu.memory_space<hbm>>
      %dma_wait3A_40 = tpu.memref_squeeze %dma_wait3A_39 : memref<1x640x16xf32, #tpu.memory_space<hbm>> -> memref<640x16xf32, #tpu.memory_space<hbm>>
      tpu.wait_dma2 semaphore(%run_scoped3A : memref<!tpu.dma_semaphore, #tpu.memory_space<semaphore_mem>>) src(%arg5 : memref<640x16xf32, #tpu.memory_space<vmem>>) dst(%dma_wait3A_40 : memref<640x16xf32, #tpu.memory_space<hbm>>)
      tpu.yield
    }) : () -> ()
    return
  }
}

#map = affine_map<(d0, d1) -> (0, 0)>
#map1 = affine_map<(d0, d1) -> (0, 0, 0)>
module attributes {stable_mosaic.version = 14 : i64} {
  func.func @_agg_body(%arg0: i32, %arg1: i32, %arg2: memref<10240x16xf32, #tpu.memory_space<hbm>>, %arg3: memref<32x10x1000xi32, #tpu.memory_space<hbm>>, %arg4: memref<32x10x1000xi32, #tpu.memory_space<hbm>>, %arg5: memref<2x10240x16xf32, #tpu.memory_space<hbm>>, %arg6: memref<10x1000xi32, #tpu.memory_space<vmem>>, %arg7: memref<10x1000xi32, #tpu.memory_space<vmem>>, %arg8: memref<1000x16xf32, #tpu.memory_space<vmem>>, %arg9: memref<1000x16xf32, #tpu.memory_space<vmem>>, %arg10: memref<10240x16xf32, #tpu.memory_space<vmem_shared>>, %arg11: memref<!tpu.dma_semaphore, #tpu.memory_space<semaphore_mem>>, %arg12: memref<!tpu.dma_semaphore, #tpu.memory_space<semaphore_mem>>) attributes {dimension_semantics = [#tpu.dimension_semantics<core_parallel>, #tpu.dimension_semantics<subcore_parallel>], iteration_bounds = array<i64: 2, 16>, scalar_prefetch = 0 : i64, scratch_operands = 7 : i64, tpu.core_type = #tpu.core_type<sc_vector_subcore>, window_params = [{transform_indices = #map}, {transform_indices = #map1}, {transform_indices = #map1}, {transform_indices = #map1}]} {
    %mul3A = arith.constant 16 : i32
    %mul3A_0 = arith.muli %arg0, %mul3A : i32
    %add3A = arith.addi %mul3A_0, %arg1 : i32
    %dma_start3A = arith.constant 0 : i32
    %dma_start3A_1 = arith.constant 0 : i32
    %dma_start3A_2 = tpu.memref_slice %arg3[%add3A, %dma_start3A, %dma_start3A_1] : memref<32x10x1000xi32, #tpu.memory_space<hbm>> -> memref<1x10x1000xi32, #tpu.memory_space<hbm>>
    %dma_start3A_3 = tpu.memref_squeeze %dma_start3A_2 : memref<1x10x1000xi32, #tpu.memory_space<hbm>> -> memref<10x1000xi32, #tpu.memory_space<hbm>>
    %dma_start3A_4 = arith.constant 0 : i32
    %dma_start3A_5 = arith.constant 0 : i32
    %dma_start3A_6 = tpu.memref_slice %arg3[%add3A, %dma_start3A_4, %dma_start3A_5] : memref<32x10x1000xi32, #tpu.memory_space<hbm>> -> memref<1x10x1000xi32, #tpu.memory_space<hbm>>
    %dma_start3A_7 = tpu.memref_squeeze %dma_start3A_6 : memref<1x10x1000xi32, #tpu.memory_space<hbm>> -> memref<10x1000xi32, #tpu.memory_space<hbm>>
    tpu.enqueue_dma source(%dma_start3A_7 : memref<10x1000xi32, #tpu.memory_space<hbm>>) target(%arg6 : memref<10x1000xi32, #tpu.memory_space<vmem>>) target_semaphore(%arg11 : memref<!tpu.dma_semaphore, #tpu.memory_space<semaphore_mem>>)
    %dma_start3A_8 = arith.constant 0 : i32
    %dma_start3A_9 = arith.constant 0 : i32
    %dma_start3A_10 = tpu.memref_slice %arg4[%add3A, %dma_start3A_8, %dma_start3A_9] : memref<32x10x1000xi32, #tpu.memory_space<hbm>> -> memref<1x10x1000xi32, #tpu.memory_space<hbm>>
    %dma_start3A_11 = tpu.memref_squeeze %dma_start3A_10 : memref<1x10x1000xi32, #tpu.memory_space<hbm>> -> memref<10x1000xi32, #tpu.memory_space<hbm>>
    %dma_start3A_12 = arith.constant 0 : i32
    %dma_start3A_13 = arith.constant 0 : i32
    %dma_start3A_14 = tpu.memref_slice %arg4[%add3A, %dma_start3A_12, %dma_start3A_13] : memref<32x10x1000xi32, #tpu.memory_space<hbm>> -> memref<1x10x1000xi32, #tpu.memory_space<hbm>>
    %dma_start3A_15 = tpu.memref_squeeze %dma_start3A_14 : memref<1x10x1000xi32, #tpu.memory_space<hbm>> -> memref<10x1000xi32, #tpu.memory_space<hbm>>
    tpu.enqueue_dma source(%dma_start3A_15 : memref<10x1000xi32, #tpu.memory_space<hbm>>) target(%arg7 : memref<10x1000xi32, #tpu.memory_space<vmem>>) target_semaphore(%arg12 : memref<!tpu.dma_semaphore, #tpu.memory_space<semaphore_mem>>)
    %mul3A_16 = arith.constant 640 : i32
    %mul3A_17 = arith.muli %arg1, %mul3A_16 : i32
    "tpu.region"() ({
      %run_scoped3A = tpu.sem_alloc : memref<!tpu.dma_semaphore, #tpu.memory_space<semaphore_mem>>
      %dma_start3A_46 = arith.constant 0 : i32
      %dma_start3A_47 = tpu.memref_slice %arg10[%mul3A_17, %dma_start3A_46] : memref<10240x16xf32, #tpu.memory_space<vmem_shared>> -> memref<640x16xf32, #tpu.memory_space<vmem_shared>>
      %dma_start3A_48 = arith.constant 0 : i32
      %dma_start3A_49 = tpu.memref_slice %arg2[%mul3A_17, %dma_start3A_48] : memref<10240x16xf32, #tpu.memory_space<hbm>> -> memref<640x16xf32, #tpu.memory_space<hbm>>
      tpu.enqueue_dma source(%dma_start3A_49 : memref<640x16xf32, #tpu.memory_space<hbm>>) target(%dma_start3A_47 : memref<640x16xf32, #tpu.memory_space<vmem_shared>>) target_semaphore(%run_scoped3A : memref<!tpu.dma_semaphore, #tpu.memory_space<semaphore_mem>>)
      %dma_wait3A_50 = arith.constant 0 : i32
      %dma_wait3A_51 = tpu.memref_slice %arg10[%mul3A_17, %dma_wait3A_50] : memref<10240x16xf32, #tpu.memory_space<vmem_shared>> -> memref<640x16xf32, #tpu.memory_space<vmem_shared>>
      %dma_wait3A_52 = arith.constant 0 : i32
      %dma_wait3A_53 = tpu.memref_slice %arg2[%mul3A_17, %dma_wait3A_52] : memref<10240x16xf32, #tpu.memory_space<hbm>> -> memref<640x16xf32, #tpu.memory_space<hbm>>
      tpu.wait_dma2 semaphore(%run_scoped3A : memref<!tpu.dma_semaphore, #tpu.memory_space<semaphore_mem>>) src(%dma_wait3A_53 : memref<640x16xf32, #tpu.memory_space<hbm>>) dst(%dma_wait3A_51 : memref<640x16xf32, #tpu.memory_space<vmem_shared>>)
      tpu.yield
    }) : () -> ()
    %dma_wait3A = arith.constant 0 : i32
    %dma_wait3A_18 = arith.constant 0 : i32
    %dma_wait3A_19 = tpu.memref_slice %arg3[%add3A, %dma_wait3A, %dma_wait3A_18] : memref<32x10x1000xi32, #tpu.memory_space<hbm>> -> memref<1x10x1000xi32, #tpu.memory_space<hbm>>
    %dma_wait3A_20 = tpu.memref_squeeze %dma_wait3A_19 : memref<1x10x1000xi32, #tpu.memory_space<hbm>> -> memref<10x1000xi32, #tpu.memory_space<hbm>>
    %dma_wait3A_21 = arith.constant 0 : i32
    %dma_wait3A_22 = arith.constant 0 : i32
    %dma_wait3A_23 = tpu.memref_slice %arg3[%add3A, %dma_wait3A_21, %dma_wait3A_22] : memref<32x10x1000xi32, #tpu.memory_space<hbm>> -> memref<1x10x1000xi32, #tpu.memory_space<hbm>>
    %dma_wait3A_24 = tpu.memref_squeeze %dma_wait3A_23 : memref<1x10x1000xi32, #tpu.memory_space<hbm>> -> memref<10x1000xi32, #tpu.memory_space<hbm>>
    tpu.wait_dma2 semaphore(%arg11 : memref<!tpu.dma_semaphore, #tpu.memory_space<semaphore_mem>>) src(%dma_wait3A_24 : memref<10x1000xi32, #tpu.memory_space<hbm>>) dst(%arg6 : memref<10x1000xi32, #tpu.memory_space<vmem>>)
    %dma_wait3A_25 = arith.constant 0 : i32
    %dma_wait3A_26 = arith.constant 0 : i32
    %dma_wait3A_27 = tpu.memref_slice %arg4[%add3A, %dma_wait3A_25, %dma_wait3A_26] : memref<32x10x1000xi32, #tpu.memory_space<hbm>> -> memref<1x10x1000xi32, #tpu.memory_space<hbm>>
    %dma_wait3A_28 = tpu.memref_squeeze %dma_wait3A_27 : memref<1x10x1000xi32, #tpu.memory_space<hbm>> -> memref<10x1000xi32, #tpu.memory_space<hbm>>
    %dma_wait3A_29 = arith.constant 0 : i32
    %dma_wait3A_30 = arith.constant 0 : i32
    %dma_wait3A_31 = tpu.memref_slice %arg4[%add3A, %dma_wait3A_29, %dma_wait3A_30] : memref<32x10x1000xi32, #tpu.memory_space<hbm>> -> memref<1x10x1000xi32, #tpu.memory_space<hbm>>
    %dma_wait3A_32 = tpu.memref_squeeze %dma_wait3A_31 : memref<1x10x1000xi32, #tpu.memory_space<hbm>> -> memref<10x1000xi32, #tpu.memory_space<hbm>>
    tpu.wait_dma2 semaphore(%arg12 : memref<!tpu.dma_semaphore, #tpu.memory_space<semaphore_mem>>) src(%dma_wait3A_32 : memref<10x1000xi32, #tpu.memory_space<hbm>>) dst(%arg7 : memref<10x1000xi32, #tpu.memory_space<vmem>>)
    %barrier3A = arith.constant 0 : index
    tpu.barrier barrier_id(%barrier3A)
    %dma_start3A_33 = arith.constant 0 : i32
    %dma_start3A_34 = arith.constant 0 : i32
    %dma_start3A_35 = tpu.memref_slice %arg6[%dma_start3A_33, %dma_start3A_34] : memref<10x1000xi32, #tpu.memory_space<vmem>> -> memref<1x1000xi32, #tpu.memory_space<vmem>>
    %dma_start3A_36 = tpu.memref_squeeze %dma_start3A_35 : memref<1x1000xi32, #tpu.memory_space<vmem>> -> memref<1000xi32, #tpu.memory_space<vmem>>
    %dma_start3A_37 = arith.constant 0 : i32
    %dma_start3A_38 = arith.constant 0 : i32
    %dma_start3A_39 = tpu.memref_slice %arg2[%dma_start3A_37, %dma_start3A_38] : memref<10240x16xf32, #tpu.memory_space<hbm>> -> memref<10240x16xf32, #tpu.memory_space<hbm>>
    tpu.enqueue_indirect_dma source(%dma_start3A_39 : memref<10240x16xf32, #tpu.memory_space<hbm>>) target(%arg8 : memref<1000x16xf32, #tpu.memory_space<vmem>>) offsets(%dma_start3A_36 : memref<1000xi32, #tpu.memory_space<vmem>>) semaphore(%arg11 : memref<!tpu.dma_semaphore, #tpu.memory_space<semaphore_mem>>)
    %scan3A = arith.constant 0 : i32
    %scan3A_40 = arith.constant 0 : i32
    %scan3A_41 = arith.constant 5 : i32
    %scan3A_42 = arith.addi %scan3A_40, %scan3A_41 : i32
    %scan3A_43 = arith.constant 1 : i32
    scf.for %scan3A_46 = %scan3A_40 to %scan3A_42 step %scan3A_43  : i32 {
      %mul3A_47 = arith.constant 2 : i32
      %mul3A_48 = arith.muli %mul3A_47, %scan3A_46 : i32
      %add3A_49 = arith.constant 1 : i32
      %add3A_50 = arith.addi %mul3A_48, %add3A_49 : i32
      %dma_start3A_51 = arith.constant 0 : i32
      %dma_start3A_52 = tpu.memref_slice %arg6[%add3A_50, %dma_start3A_51] : memref<10x1000xi32, #tpu.memory_space<vmem>> -> memref<1x1000xi32, #tpu.memory_space<vmem>>
      %dma_start3A_53 = tpu.memref_squeeze %dma_start3A_52 : memref<1x1000xi32, #tpu.memory_space<vmem>> -> memref<1000xi32, #tpu.memory_space<vmem>>
      %dma_start3A_54 = arith.constant 0 : i32
      %dma_start3A_55 = arith.constant 0 : i32
      %dma_start3A_56 = tpu.memref_slice %arg2[%dma_start3A_54, %dma_start3A_55] : memref<10240x16xf32, #tpu.memory_space<hbm>> -> memref<10240x16xf32, #tpu.memory_space<hbm>>
      tpu.enqueue_indirect_dma source(%dma_start3A_56 : memref<10240x16xf32, #tpu.memory_space<hbm>>) target(%arg9 : memref<1000x16xf32, #tpu.memory_space<vmem>>) offsets(%dma_start3A_53 : memref<1000xi32, #tpu.memory_space<vmem>>) semaphore(%arg12 : memref<!tpu.dma_semaphore, #tpu.memory_space<semaphore_mem>>)
      %dma_wait3A_57 = arith.constant 0 : i32
      %dma_wait3A_58 = tpu.memref_slice %arg6[%mul3A_48, %dma_wait3A_57] : memref<10x1000xi32, #tpu.memory_space<vmem>> -> memref<1x1000xi32, #tpu.memory_space<vmem>>
      %dma_wait3A_59 = tpu.memref_squeeze %dma_wait3A_58 : memref<1x1000xi32, #tpu.memory_space<vmem>> -> memref<1000xi32, #tpu.memory_space<vmem>>
      %dma_wait3A_60 = arith.constant 0 : i32
      %dma_wait3A_61 = arith.constant 0 : i32
      %dma_wait3A_62 = tpu.memref_slice %arg2[%dma_wait3A_60, %dma_wait3A_61] : memref<10240x16xf32, #tpu.memory_space<hbm>> -> memref<10240x16xf32, #tpu.memory_space<hbm>>
      tpu.wait_indirect_dma semaphore(%arg11 : memref<!tpu.dma_semaphore, #tpu.memory_space<semaphore_mem>>) src(%dma_wait3A_62 : memref<10240x16xf32, #tpu.memory_space<hbm>>) dst(%arg8 : memref<1000x16xf32, #tpu.memory_space<vmem>>)
      "tpu.region"() ({
        %run_scoped3A = tpu.sem_alloc : memref<!tpu.dma_semaphore, #tpu.memory_space<semaphore_mem>>
        %dma_start3A_73 = arith.constant 0 : i32
        %dma_start3A_74 = tpu.memref_slice %arg7[%mul3A_48, %dma_start3A_73] : memref<10x1000xi32, #tpu.memory_space<vmem>> -> memref<1x1000xi32, #tpu.memory_space<vmem>>
        %dma_start3A_75 = tpu.memref_squeeze %dma_start3A_74 : memref<1x1000xi32, #tpu.memory_space<vmem>> -> memref<1000xi32, #tpu.memory_space<vmem>>
        %dma_start3A_76 = arith.constant 0 : i32
        %dma_start3A_77 = arith.constant 0 : i32
        %dma_start3A_78 = tpu.memref_slice %arg10[%dma_start3A_76, %dma_start3A_77] : memref<10240x16xf32, #tpu.memory_space<vmem_shared>> -> memref<10240x16xf32, #tpu.memory_space<vmem_shared>>
        tpu.enqueue_indirect_dma source(%arg8 : memref<1000x16xf32, #tpu.memory_space<vmem>>) target(%dma_start3A_78 : memref<10240x16xf32, #tpu.memory_space<vmem_shared>>) offsets(%dma_start3A_75 : memref<1000xi32, #tpu.memory_space<vmem>>) semaphore(%run_scoped3A : memref<!tpu.dma_semaphore, #tpu.memory_space<semaphore_mem>>) {add = true}
        %dma_wait3A_79 = arith.constant 0 : i32
        %dma_wait3A_80 = tpu.memref_slice %arg7[%mul3A_48, %dma_wait3A_79] : memref<10x1000xi32, #tpu.memory_space<vmem>> -> memref<1x1000xi32, #tpu.memory_space<vmem>>
        %dma_wait3A_81 = tpu.memref_squeeze %dma_wait3A_80 : memref<1x1000xi32, #tpu.memory_space<vmem>> -> memref<1000xi32, #tpu.memory_space<vmem>>
        %dma_wait3A_82 = arith.constant 0 : i32
        %dma_wait3A_83 = arith.constant 0 : i32
        %dma_wait3A_84 = tpu.memref_slice %arg10[%dma_wait3A_82, %dma_wait3A_83] : memref<10240x16xf32, #tpu.memory_space<vmem_shared>> -> memref<10240x16xf32, #tpu.memory_space<vmem_shared>>
        tpu.wait_indirect_dma semaphore(%run_scoped3A : memref<!tpu.dma_semaphore, #tpu.memory_space<semaphore_mem>>) src(%arg8 : memref<1000x16xf32, #tpu.memory_space<vmem>>) dst(%dma_wait3A_84 : memref<10240x16xf32, #tpu.memory_space<vmem_shared>>)
        tpu.yield
      }) : () -> ()
      %add3A_63 = arith.constant 2 : i32
      %add3A_64 = arith.addi %mul3A_48, %add3A_63 : i32
      %lt3A = arith.constant 10 : i32
      %lt3A_65 = arith.cmpi slt, %add3A_64, %lt3A : i32
      %convert_element_type3A = arith.extui %lt3A_65 : i1 to i32
      %cond3A = arith.constant 0 : i32
      %cond3A_66 = arith.cmpi ne, %convert_element_type3A, %cond3A : i32
      scf.if %cond3A_66 {
        %add3A_73 = arith.constant 2 : i32
        %add3A_74 = arith.addi %mul3A_48, %add3A_73 : i32
        %dma_start3A_75 = arith.constant 0 : i32
        %dma_start3A_76 = tpu.memref_slice %arg6[%add3A_74, %dma_start3A_75] : memref<10x1000xi32, #tpu.memory_space<vmem>> -> memref<1x1000xi32, #tpu.memory_space<vmem>>
        %dma_start3A_77 = tpu.memref_squeeze %dma_start3A_76 : memref<1x1000xi32, #tpu.memory_space<vmem>> -> memref<1000xi32, #tpu.memory_space<vmem>>
        %dma_start3A_78 = arith.constant 0 : i32
        %dma_start3A_79 = arith.constant 0 : i32
        %dma_start3A_80 = tpu.memref_slice %arg2[%dma_start3A_78, %dma_start3A_79] : memref<10240x16xf32, #tpu.memory_space<hbm>> -> memref<10240x16xf32, #tpu.memory_space<hbm>>
        tpu.enqueue_indirect_dma source(%dma_start3A_80 : memref<10240x16xf32, #tpu.memory_space<hbm>>) target(%arg8 : memref<1000x16xf32, #tpu.memory_space<vmem>>) offsets(%dma_start3A_77 : memref<1000xi32, #tpu.memory_space<vmem>>) semaphore(%arg11 : memref<!tpu.dma_semaphore, #tpu.memory_space<semaphore_mem>>)
      } else {
      }
      %dma_wait3A_67 = arith.constant 0 : i32
      %dma_wait3A_68 = tpu.memref_slice %arg6[%add3A_50, %dma_wait3A_67] : memref<10x1000xi32, #tpu.memory_space<vmem>> -> memref<1x1000xi32, #tpu.memory_space<vmem>>
      %dma_wait3A_69 = tpu.memref_squeeze %dma_wait3A_68 : memref<1x1000xi32, #tpu.memory_space<vmem>> -> memref<1000xi32, #tpu.memory_space<vmem>>
      %dma_wait3A_70 = arith.constant 0 : i32
      %dma_wait3A_71 = arith.constant 0 : i32
      %dma_wait3A_72 = tpu.memref_slice %arg2[%dma_wait3A_70, %dma_wait3A_71] : memref<10240x16xf32, #tpu.memory_space<hbm>> -> memref<10240x16xf32, #tpu.memory_space<hbm>>
      tpu.wait_indirect_dma semaphore(%arg12 : memref<!tpu.dma_semaphore, #tpu.memory_space<semaphore_mem>>) src(%dma_wait3A_72 : memref<10240x16xf32, #tpu.memory_space<hbm>>) dst(%arg9 : memref<1000x16xf32, #tpu.memory_space<vmem>>)
      "tpu.region"() ({
        %run_scoped3A = tpu.sem_alloc : memref<!tpu.dma_semaphore, #tpu.memory_space<semaphore_mem>>
        %dma_start3A_73 = arith.constant 0 : i32
        %dma_start3A_74 = tpu.memref_slice %arg7[%add3A_50, %dma_start3A_73] : memref<10x1000xi32, #tpu.memory_space<vmem>> -> memref<1x1000xi32, #tpu.memory_space<vmem>>
        %dma_start3A_75 = tpu.memref_squeeze %dma_start3A_74 : memref<1x1000xi32, #tpu.memory_space<vmem>> -> memref<1000xi32, #tpu.memory_space<vmem>>
        %dma_start3A_76 = arith.constant 0 : i32
        %dma_start3A_77 = arith.constant 0 : i32
        %dma_start3A_78 = tpu.memref_slice %arg10[%dma_start3A_76, %dma_start3A_77] : memref<10240x16xf32, #tpu.memory_space<vmem_shared>> -> memref<10240x16xf32, #tpu.memory_space<vmem_shared>>
        tpu.enqueue_indirect_dma source(%arg9 : memref<1000x16xf32, #tpu.memory_space<vmem>>) target(%dma_start3A_78 : memref<10240x16xf32, #tpu.memory_space<vmem_shared>>) offsets(%dma_start3A_75 : memref<1000xi32, #tpu.memory_space<vmem>>) semaphore(%run_scoped3A : memref<!tpu.dma_semaphore, #tpu.memory_space<semaphore_mem>>) {add = true}
        %dma_wait3A_79 = arith.constant 0 : i32
        %dma_wait3A_80 = tpu.memref_slice %arg7[%add3A_50, %dma_wait3A_79] : memref<10x1000xi32, #tpu.memory_space<vmem>> -> memref<1x1000xi32, #tpu.memory_space<vmem>>
        %dma_wait3A_81 = tpu.memref_squeeze %dma_wait3A_80 : memref<1x1000xi32, #tpu.memory_space<vmem>> -> memref<1000xi32, #tpu.memory_space<vmem>>
        %dma_wait3A_82 = arith.constant 0 : i32
        %dma_wait3A_83 = arith.constant 0 : i32
        %dma_wait3A_84 = tpu.memref_slice %arg10[%dma_wait3A_82, %dma_wait3A_83] : memref<10240x16xf32, #tpu.memory_space<vmem_shared>> -> memref<10240x16xf32, #tpu.memory_space<vmem_shared>>
        tpu.wait_indirect_dma semaphore(%run_scoped3A : memref<!tpu.dma_semaphore, #tpu.memory_space<semaphore_mem>>) src(%arg9 : memref<1000x16xf32, #tpu.memory_space<vmem>>) dst(%dma_wait3A_84 : memref<10240x16xf32, #tpu.memory_space<vmem_shared>>)
        tpu.yield
      }) : () -> ()
    }
    %scan3A_44 = arith.constant 5 : i32
    %barrier3A_45 = arith.constant 0 : index
    tpu.barrier barrier_id(%barrier3A_45)
    "tpu.region"() ({
      %run_scoped3A = tpu.sem_alloc : memref<!tpu.dma_semaphore, #tpu.memory_space<semaphore_mem>>
      %dma_start3A_46 = arith.constant 0 : i32
      %dma_start3A_47 = tpu.memref_slice %arg5[%arg0, %mul3A_17, %dma_start3A_46] : memref<2x10240x16xf32, #tpu.memory_space<hbm>> -> memref<1x640x16xf32, #tpu.memory_space<hbm>>
      %dma_start3A_48 = tpu.memref_squeeze %dma_start3A_47 : memref<1x640x16xf32, #tpu.memory_space<hbm>> -> memref<640x16xf32, #tpu.memory_space<hbm>>
      %dma_start3A_49 = arith.constant 0 : i32
      %dma_start3A_50 = tpu.memref_slice %arg10[%mul3A_17, %dma_start3A_49] : memref<10240x16xf32, #tpu.memory_space<vmem_shared>> -> memref<640x16xf32, #tpu.memory_space<vmem_shared>>
      tpu.enqueue_dma source(%dma_start3A_50 : memref<640x16xf32, #tpu.memory_space<vmem_shared>>) target(%dma_start3A_48 : memref<640x16xf32, #tpu.memory_space<hbm>>) target_semaphore(%run_scoped3A : memref<!tpu.dma_semaphore, #tpu.memory_space<semaphore_mem>>)
      %dma_wait3A_51 = arith.constant 0 : i32
      %dma_wait3A_52 = tpu.memref_slice %arg5[%arg0, %mul3A_17, %dma_wait3A_51] : memref<2x10240x16xf32, #tpu.memory_space<hbm>> -> memref<1x640x16xf32, #tpu.memory_space<hbm>>
      %dma_wait3A_53 = tpu.memref_squeeze %dma_wait3A_52 : memref<1x640x16xf32, #tpu.memory_space<hbm>> -> memref<640x16xf32, #tpu.memory_space<hbm>>
      %dma_wait3A_54 = arith.constant 0 : i32
      %dma_wait3A_55 = tpu.memref_slice %arg10[%mul3A_17, %dma_wait3A_54] : memref<10240x16xf32, #tpu.memory_space<vmem_shared>> -> memref<640x16xf32, #tpu.memory_space<vmem_shared>>
      tpu.wait_dma2 semaphore(%run_scoped3A : memref<!tpu.dma_semaphore, #tpu.memory_space<semaphore_mem>>) src(%dma_wait3A_55 : memref<640x16xf32, #tpu.memory_space<vmem_shared>>) dst(%dma_wait3A_53 : memref<640x16xf32, #tpu.memory_space<hbm>>)
      tpu.yield
    }) : () -> ()
    return
  }
}

#map = affine_map<(d0, d1) -> (0, 0)>
#map1 = affine_map<(d0, d1) -> (0, 0, 0)>
module attributes {stable_mosaic.version = 14 : i64} {
  func.func @_agg_body(%arg0: i32, %arg1: i32, %arg2: memref<10240x16xf32, #tpu.memory_space<hbm>>, %arg3: memref<32x10x1000xi32, #tpu.memory_space<hbm>>, %arg4: memref<32x10x1000xi32, #tpu.memory_space<hbm>>, %arg5: memref<2x10240x16xf32, #tpu.memory_space<hbm>>, %arg6: memref<10x1000xi32, #tpu.memory_space<vmem>>, %arg7: memref<10x1000xi32, #tpu.memory_space<vmem>>, %arg8: memref<1000x16xf32, #tpu.memory_space<vmem>>, %arg9: memref<1000x16xf32, #tpu.memory_space<vmem>>, %arg10: memref<10240x16xf32, #tpu.memory_space<vmem_shared>>, %arg11: memref<!tpu.dma_semaphore, #tpu.memory_space<semaphore_mem>>, %arg12: memref<!tpu.dma_semaphore, #tpu.memory_space<semaphore_mem>>) attributes {dimension_semantics = [#tpu.dimension_semantics<core_parallel>, #tpu.dimension_semantics<subcore_parallel>], iteration_bounds = array<i64: 2, 16>, scalar_prefetch = 0 : i64, scratch_operands = 7 : i64, tpu.core_type = #tpu.core_type<sc_vector_subcore>, window_params = [{transform_indices = #map}, {transform_indices = #map1}, {transform_indices = #map1}, {transform_indices = #map1}]} {
    %mul3A = arith.constant 16 : i32
    %mul3A_0 = arith.muli %arg0, %mul3A : i32
    %add3A = arith.addi %mul3A_0, %arg1 : i32
    %dma_start3A = arith.constant 0 : i32
    %dma_start3A_1 = arith.constant 0 : i32
    %dma_start3A_2 = tpu.memref_slice %arg3[%add3A, %dma_start3A, %dma_start3A_1] : memref<32x10x1000xi32, #tpu.memory_space<hbm>> -> memref<1x10x1000xi32, #tpu.memory_space<hbm>>
    %dma_start3A_3 = tpu.memref_squeeze %dma_start3A_2 : memref<1x10x1000xi32, #tpu.memory_space<hbm>> -> memref<10x1000xi32, #tpu.memory_space<hbm>>
    %dma_start3A_4 = arith.constant 0 : i32
    %dma_start3A_5 = arith.constant 0 : i32
    %dma_start3A_6 = tpu.memref_slice %arg3[%add3A, %dma_start3A_4, %dma_start3A_5] : memref<32x10x1000xi32, #tpu.memory_space<hbm>> -> memref<1x10x1000xi32, #tpu.memory_space<hbm>>
    %dma_start3A_7 = tpu.memref_squeeze %dma_start3A_6 : memref<1x10x1000xi32, #tpu.memory_space<hbm>> -> memref<10x1000xi32, #tpu.memory_space<hbm>>
    tpu.enqueue_dma source(%dma_start3A_7 : memref<10x1000xi32, #tpu.memory_space<hbm>>) target(%arg6 : memref<10x1000xi32, #tpu.memory_space<vmem>>) target_semaphore(%arg11 : memref<!tpu.dma_semaphore, #tpu.memory_space<semaphore_mem>>)
    %dma_start3A_8 = arith.constant 0 : i32
    %dma_start3A_9 = arith.constant 0 : i32
    %dma_start3A_10 = tpu.memref_slice %arg4[%add3A, %dma_start3A_8, %dma_start3A_9] : memref<32x10x1000xi32, #tpu.memory_space<hbm>> -> memref<1x10x1000xi32, #tpu.memory_space<hbm>>
    %dma_start3A_11 = tpu.memref_squeeze %dma_start3A_10 : memref<1x10x1000xi32, #tpu.memory_space<hbm>> -> memref<10x1000xi32, #tpu.memory_space<hbm>>
    %dma_start3A_12 = arith.constant 0 : i32
    %dma_start3A_13 = arith.constant 0 : i32
    %dma_start3A_14 = tpu.memref_slice %arg4[%add3A, %dma_start3A_12, %dma_start3A_13] : memref<32x10x1000xi32, #tpu.memory_space<hbm>> -> memref<1x10x1000xi32, #tpu.memory_space<hbm>>
    %dma_start3A_15 = tpu.memref_squeeze %dma_start3A_14 : memref<1x10x1000xi32, #tpu.memory_space<hbm>> -> memref<10x1000xi32, #tpu.memory_space<hbm>>
    tpu.enqueue_dma source(%dma_start3A_15 : memref<10x1000xi32, #tpu.memory_space<hbm>>) target(%arg7 : memref<10x1000xi32, #tpu.memory_space<vmem>>) target_semaphore(%arg12 : memref<!tpu.dma_semaphore, #tpu.memory_space<semaphore_mem>>)
    %mul3A_16 = arith.constant 640 : i32
    %mul3A_17 = arith.muli %arg1, %mul3A_16 : i32
    "tpu.region"() ({
      %run_scoped3A = tpu.sem_alloc : memref<!tpu.dma_semaphore, #tpu.memory_space<semaphore_mem>>
      %dma_start3A_46 = arith.constant 0 : i32
      %dma_start3A_47 = tpu.memref_slice %arg10[%mul3A_17, %dma_start3A_46] : memref<10240x16xf32, #tpu.memory_space<vmem_shared>> -> memref<640x16xf32, #tpu.memory_space<vmem_shared>>
      %dma_start3A_48 = arith.constant 0 : i32
      %dma_start3A_49 = tpu.memref_slice %arg2[%mul3A_17, %dma_start3A_48] : memref<10240x16xf32, #tpu.memory_space<hbm>> -> memref<640x16xf32, #tpu.memory_space<hbm>>
      tpu.enqueue_dma source(%dma_start3A_49 : memref<640x16xf32, #tpu.memory_space<hbm>>) target(%dma_start3A_47 : memref<640x16xf32, #tpu.memory_space<vmem_shared>>) target_semaphore(%run_scoped3A : memref<!tpu.dma_semaphore, #tpu.memory_space<semaphore_mem>>)
      %dma_wait3A_50 = arith.constant 0 : i32
      %dma_wait3A_51 = tpu.memref_slice %arg10[%mul3A_17, %dma_wait3A_50] : memref<10240x16xf32, #tpu.memory_space<vmem_shared>> -> memref<640x16xf32, #tpu.memory_space<vmem_shared>>
      %dma_wait3A_52 = arith.constant 0 : i32
      %dma_wait3A_53 = tpu.memref_slice %arg2[%mul3A_17, %dma_wait3A_52] : memref<10240x16xf32, #tpu.memory_space<hbm>> -> memref<640x16xf32, #tpu.memory_space<hbm>>
      tpu.wait_dma2 semaphore(%run_scoped3A : memref<!tpu.dma_semaphore, #tpu.memory_space<semaphore_mem>>) src(%dma_wait3A_53 : memref<640x16xf32, #tpu.memory_space<hbm>>) dst(%dma_wait3A_51 : memref<640x16xf32, #tpu.memory_space<vmem_shared>>)
      tpu.yield
    }) : () -> ()
    %dma_wait3A = arith.constant 0 : i32
    %dma_wait3A_18 = arith.constant 0 : i32
    %dma_wait3A_19 = tpu.memref_slice %arg3[%add3A, %dma_wait3A, %dma_wait3A_18] : memref<32x10x1000xi32, #tpu.memory_space<hbm>> -> memref<1x10x1000xi32, #tpu.memory_space<hbm>>
    %dma_wait3A_20 = tpu.memref_squeeze %dma_wait3A_19 : memref<1x10x1000xi32, #tpu.memory_space<hbm>> -> memref<10x1000xi32, #tpu.memory_space<hbm>>
    %dma_wait3A_21 = arith.constant 0 : i32
    %dma_wait3A_22 = arith.constant 0 : i32
    %dma_wait3A_23 = tpu.memref_slice %arg3[%add3A, %dma_wait3A_21, %dma_wait3A_22] : memref<32x10x1000xi32, #tpu.memory_space<hbm>> -> memref<1x10x1000xi32, #tpu.memory_space<hbm>>
    %dma_wait3A_24 = tpu.memref_squeeze %dma_wait3A_23 : memref<1x10x1000xi32, #tpu.memory_space<hbm>> -> memref<10x1000xi32, #tpu.memory_space<hbm>>
    tpu.wait_dma2 semaphore(%arg11 : memref<!tpu.dma_semaphore, #tpu.memory_space<semaphore_mem>>) src(%dma_wait3A_24 : memref<10x1000xi32, #tpu.memory_space<hbm>>) dst(%arg6 : memref<10x1000xi32, #tpu.memory_space<vmem>>)
    %dma_wait3A_25 = arith.constant 0 : i32
    %dma_wait3A_26 = arith.constant 0 : i32
    %dma_wait3A_27 = tpu.memref_slice %arg4[%add3A, %dma_wait3A_25, %dma_wait3A_26] : memref<32x10x1000xi32, #tpu.memory_space<hbm>> -> memref<1x10x1000xi32, #tpu.memory_space<hbm>>
    %dma_wait3A_28 = tpu.memref_squeeze %dma_wait3A_27 : memref<1x10x1000xi32, #tpu.memory_space<hbm>> -> memref<10x1000xi32, #tpu.memory_space<hbm>>
    %dma_wait3A_29 = arith.constant 0 : i32
    %dma_wait3A_30 = arith.constant 0 : i32
    %dma_wait3A_31 = tpu.memref_slice %arg4[%add3A, %dma_wait3A_29, %dma_wait3A_30] : memref<32x10x1000xi32, #tpu.memory_space<hbm>> -> memref<1x10x1000xi32, #tpu.memory_space<hbm>>
    %dma_wait3A_32 = tpu.memref_squeeze %dma_wait3A_31 : memref<1x10x1000xi32, #tpu.memory_space<hbm>> -> memref<10x1000xi32, #tpu.memory_space<hbm>>
    tpu.wait_dma2 semaphore(%arg12 : memref<!tpu.dma_semaphore, #tpu.memory_space<semaphore_mem>>) src(%dma_wait3A_32 : memref<10x1000xi32, #tpu.memory_space<hbm>>) dst(%arg7 : memref<10x1000xi32, #tpu.memory_space<vmem>>)
    %barrier3A = arith.constant 0 : index
    tpu.barrier barrier_id(%barrier3A)
    %dma_start3A_33 = arith.constant 0 : i32
    %dma_start3A_34 = arith.constant 0 : i32
    %dma_start3A_35 = tpu.memref_slice %arg6[%dma_start3A_33, %dma_start3A_34] : memref<10x1000xi32, #tpu.memory_space<vmem>> -> memref<1x1000xi32, #tpu.memory_space<vmem>>
    %dma_start3A_36 = tpu.memref_squeeze %dma_start3A_35 : memref<1x1000xi32, #tpu.memory_space<vmem>> -> memref<1000xi32, #tpu.memory_space<vmem>>
    %dma_start3A_37 = arith.constant 0 : i32
    %dma_start3A_38 = arith.constant 0 : i32
    %dma_start3A_39 = tpu.memref_slice %arg2[%dma_start3A_37, %dma_start3A_38] : memref<10240x16xf32, #tpu.memory_space<hbm>> -> memref<10240x16xf32, #tpu.memory_space<hbm>>
    tpu.enqueue_indirect_dma source(%dma_start3A_39 : memref<10240x16xf32, #tpu.memory_space<hbm>>) target(%arg8 : memref<1000x16xf32, #tpu.memory_space<vmem>>) offsets(%dma_start3A_36 : memref<1000xi32, #tpu.memory_space<vmem>>) semaphore(%arg11 : memref<!tpu.dma_semaphore, #tpu.memory_space<semaphore_mem>>)
    %scan3A = arith.constant 0 : i32
    %scan3A_40 = arith.constant 0 : i32
    %scan3A_41 = arith.constant 5 : i32
    %scan3A_42 = arith.addi %scan3A_40, %scan3A_41 : i32
    %scan3A_43 = arith.constant 1 : i32
    scf.for %scan3A_46 = %scan3A_40 to %scan3A_42 step %scan3A_43  : i32 {
      %mul3A_47 = arith.constant 2 : i32
      %mul3A_48 = arith.muli %mul3A_47, %scan3A_46 : i32
      %add3A_49 = arith.constant 1 : i32
      %add3A_50 = arith.addi %mul3A_48, %add3A_49 : i32
      %dma_start3A_51 = arith.constant 0 : i32
      %dma_start3A_52 = tpu.memref_slice %arg6[%add3A_50, %dma_start3A_51] : memref<10x1000xi32, #tpu.memory_space<vmem>> -> memref<1x1000xi32, #tpu.memory_space<vmem>>
      %dma_start3A_53 = tpu.memref_squeeze %dma_start3A_52 : memref<1x1000xi32, #tpu.memory_space<vmem>> -> memref<1000xi32, #tpu.memory_space<vmem>>
      %dma_start3A_54 = arith.constant 0 : i32
      %dma_start3A_55 = arith.constant 0 : i32
      %dma_start3A_56 = tpu.memref_slice %arg2[%dma_start3A_54, %dma_start3A_55] : memref<10240x16xf32, #tpu.memory_space<hbm>> -> memref<10240x16xf32, #tpu.memory_space<hbm>>
      tpu.enqueue_indirect_dma source(%dma_start3A_56 : memref<10240x16xf32, #tpu.memory_space<hbm>>) target(%arg9 : memref<1000x16xf32, #tpu.memory_space<vmem>>) offsets(%dma_start3A_53 : memref<1000xi32, #tpu.memory_space<vmem>>) semaphore(%arg12 : memref<!tpu.dma_semaphore, #tpu.memory_space<semaphore_mem>>)
      %dma_wait3A_57 = arith.constant 0 : i32
      %dma_wait3A_58 = tpu.memref_slice %arg6[%mul3A_48, %dma_wait3A_57] : memref<10x1000xi32, #tpu.memory_space<vmem>> -> memref<1x1000xi32, #tpu.memory_space<vmem>>
      %dma_wait3A_59 = tpu.memref_squeeze %dma_wait3A_58 : memref<1x1000xi32, #tpu.memory_space<vmem>> -> memref<1000xi32, #tpu.memory_space<vmem>>
      %dma_wait3A_60 = arith.constant 0 : i32
      %dma_wait3A_61 = arith.constant 0 : i32
      %dma_wait3A_62 = tpu.memref_slice %arg2[%dma_wait3A_60, %dma_wait3A_61] : memref<10240x16xf32, #tpu.memory_space<hbm>> -> memref<10240x16xf32, #tpu.memory_space<hbm>>
      tpu.wait_indirect_dma semaphore(%arg11 : memref<!tpu.dma_semaphore, #tpu.memory_space<semaphore_mem>>) src(%dma_wait3A_62 : memref<10240x16xf32, #tpu.memory_space<hbm>>) dst(%arg8 : memref<1000x16xf32, #tpu.memory_space<vmem>>)
      "tpu.region"() ({
        %run_scoped3A = tpu.sem_alloc : memref<!tpu.dma_semaphore, #tpu.memory_space<semaphore_mem>>
        %dma_start3A_73 = arith.constant 0 : i32
        %dma_start3A_74 = tpu.memref_slice %arg7[%mul3A_48, %dma_start3A_73] : memref<10x1000xi32, #tpu.memory_space<vmem>> -> memref<1x1000xi32, #tpu.memory_space<vmem>>
        %dma_start3A_75 = tpu.memref_squeeze %dma_start3A_74 : memref<1x1000xi32, #tpu.memory_space<vmem>> -> memref<1000xi32, #tpu.memory_space<vmem>>
        %dma_start3A_76 = arith.constant 0 : i32
        %dma_start3A_77 = arith.constant 0 : i32
        %dma_start3A_78 = tpu.memref_slice %arg10[%dma_start3A_76, %dma_start3A_77] : memref<10240x16xf32, #tpu.memory_space<vmem_shared>> -> memref<10240x16xf32, #tpu.memory_space<vmem_shared>>
        tpu.enqueue_indirect_dma source(%arg8 : memref<1000x16xf32, #tpu.memory_space<vmem>>) target(%dma_start3A_78 : memref<10240x16xf32, #tpu.memory_space<vmem_shared>>) offsets(%dma_start3A_75 : memref<1000xi32, #tpu.memory_space<vmem>>) semaphore(%run_scoped3A : memref<!tpu.dma_semaphore, #tpu.memory_space<semaphore_mem>>) {add = true}
        %dma_wait3A_79 = arith.constant 0 : i32
        %dma_wait3A_80 = tpu.memref_slice %arg7[%mul3A_48, %dma_wait3A_79] : memref<10x1000xi32, #tpu.memory_space<vmem>> -> memref<1x1000xi32, #tpu.memory_space<vmem>>
        %dma_wait3A_81 = tpu.memref_squeeze %dma_wait3A_80 : memref<1x1000xi32, #tpu.memory_space<vmem>> -> memref<1000xi32, #tpu.memory_space<vmem>>
        %dma_wait3A_82 = arith.constant 0 : i32
        %dma_wait3A_83 = arith.constant 0 : i32
        %dma_wait3A_84 = tpu.memref_slice %arg10[%dma_wait3A_82, %dma_wait3A_83] : memref<10240x16xf32, #tpu.memory_space<vmem_shared>> -> memref<10240x16xf32, #tpu.memory_space<vmem_shared>>
        tpu.wait_indirect_dma semaphore(%run_scoped3A : memref<!tpu.dma_semaphore, #tpu.memory_space<semaphore_mem>>) src(%arg8 : memref<1000x16xf32, #tpu.memory_space<vmem>>) dst(%dma_wait3A_84 : memref<10240x16xf32, #tpu.memory_space<vmem_shared>>)
        tpu.yield
      }) : () -> ()
      %add3A_63 = arith.constant 2 : i32
      %add3A_64 = arith.addi %mul3A_48, %add3A_63 : i32
      %lt3A = arith.constant 10 : i32
      %lt3A_65 = arith.cmpi slt, %add3A_64, %lt3A : i32
      %convert_element_type3A = arith.extui %lt3A_65 : i1 to i32
      %cond3A = arith.constant 0 : i32
      %cond3A_66 = arith.cmpi ne, %convert_element_type3A, %cond3A : i32
      scf.if %cond3A_66 {
        %add3A_73 = arith.constant 2 : i32
        %add3A_74 = arith.addi %mul3A_48, %add3A_73 : i32
        %dma_start3A_75 = arith.constant 0 : i32
        %dma_start3A_76 = tpu.memref_slice %arg6[%add3A_74, %dma_start3A_75] : memref<10x1000xi32, #tpu.memory_space<vmem>> -> memref<1x1000xi32, #tpu.memory_space<vmem>>
        %dma_start3A_77 = tpu.memref_squeeze %dma_start3A_76 : memref<1x1000xi32, #tpu.memory_space<vmem>> -> memref<1000xi32, #tpu.memory_space<vmem>>
        %dma_start3A_78 = arith.constant 0 : i32
        %dma_start3A_79 = arith.constant 0 : i32
        %dma_start3A_80 = tpu.memref_slice %arg2[%dma_start3A_78, %dma_start3A_79] : memref<10240x16xf32, #tpu.memory_space<hbm>> -> memref<10240x16xf32, #tpu.memory_space<hbm>>
        tpu.enqueue_indirect_dma source(%dma_start3A_80 : memref<10240x16xf32, #tpu.memory_space<hbm>>) target(%arg8 : memref<1000x16xf32, #tpu.memory_space<vmem>>) offsets(%dma_start3A_77 : memref<1000xi32, #tpu.memory_space<vmem>>) semaphore(%arg11 : memref<!tpu.dma_semaphore, #tpu.memory_space<semaphore_mem>>)
      } else {
      }
      %dma_wait3A_67 = arith.constant 0 : i32
      %dma_wait3A_68 = tpu.memref_slice %arg6[%add3A_50, %dma_wait3A_67] : memref<10x1000xi32, #tpu.memory_space<vmem>> -> memref<1x1000xi32, #tpu.memory_space<vmem>>
      %dma_wait3A_69 = tpu.memref_squeeze %dma_wait3A_68 : memref<1x1000xi32, #tpu.memory_space<vmem>> -> memref<1000xi32, #tpu.memory_space<vmem>>
      %dma_wait3A_70 = arith.constant 0 : i32
      %dma_wait3A_71 = arith.constant 0 : i32
      %dma_wait3A_72 = tpu.memref_slice %arg2[%dma_wait3A_70, %dma_wait3A_71] : memref<10240x16xf32, #tpu.memory_space<hbm>> -> memref<10240x16xf32, #tpu.memory_space<hbm>>
      tpu.wait_indirect_dma semaphore(%arg12 : memref<!tpu.dma_semaphore, #tpu.memory_space<semaphore_mem>>) src(%dma_wait3A_72 : memref<10240x16xf32, #tpu.memory_space<hbm>>) dst(%arg9 : memref<1000x16xf32, #tpu.memory_space<vmem>>)
      "tpu.region"() ({
        %run_scoped3A = tpu.sem_alloc : memref<!tpu.dma_semaphore, #tpu.memory_space<semaphore_mem>>
        %dma_start3A_73 = arith.constant 0 : i32
        %dma_start3A_74 = tpu.memref_slice %arg7[%add3A_50, %dma_start3A_73] : memref<10x1000xi32, #tpu.memory_space<vmem>> -> memref<1x1000xi32, #tpu.memory_space<vmem>>
        %dma_start3A_75 = tpu.memref_squeeze %dma_start3A_74 : memref<1x1000xi32, #tpu.memory_space<vmem>> -> memref<1000xi32, #tpu.memory_space<vmem>>
        %dma_start3A_76 = arith.constant 0 : i32
        %dma_start3A_77 = arith.constant 0 : i32
        %dma_start3A_78 = tpu.memref_slice %arg10[%dma_start3A_76, %dma_start3A_77] : memref<10240x16xf32, #tpu.memory_space<vmem_shared>> -> memref<10240x16xf32, #tpu.memory_space<vmem_shared>>
        tpu.enqueue_indirect_dma source(%arg9 : memref<1000x16xf32, #tpu.memory_space<vmem>>) target(%dma_start3A_78 : memref<10240x16xf32, #tpu.memory_space<vmem_shared>>) offsets(%dma_start3A_75 : memref<1000xi32, #tpu.memory_space<vmem>>) semaphore(%run_scoped3A : memref<!tpu.dma_semaphore, #tpu.memory_space<semaphore_mem>>) {add = true}
        %dma_wait3A_79 = arith.constant 0 : i32
        %dma_wait3A_80 = tpu.memref_slice %arg7[%add3A_50, %dma_wait3A_79] : memref<10x1000xi32, #tpu.memory_space<vmem>> -> memref<1x1000xi32, #tpu.memory_space<vmem>>
        %dma_wait3A_81 = tpu.memref_squeeze %dma_wait3A_80 : memref<1x1000xi32, #tpu.memory_space<vmem>> -> memref<1000xi32, #tpu.memory_space<vmem>>
        %dma_wait3A_82 = arith.constant 0 : i32
        %dma_wait3A_83 = arith.constant 0 : i32
        %dma_wait3A_84 = tpu.memref_slice %arg10[%dma_wait3A_82, %dma_wait3A_83] : memref<10240x16xf32, #tpu.memory_space<vmem_shared>> -> memref<10240x16xf32, #tpu.memory_space<vmem_shared>>
        tpu.wait_indirect_dma semaphore(%run_scoped3A : memref<!tpu.dma_semaphore, #tpu.memory_space<semaphore_mem>>) src(%arg9 : memref<1000x16xf32, #tpu.memory_space<vmem>>) dst(%dma_wait3A_84 : memref<10240x16xf32, #tpu.memory_space<vmem_shared>>)
        tpu.yield
      }) : () -> ()
    }
    %scan3A_44 = arith.constant 5 : i32
    %barrier3A_45 = arith.constant 0 : index
    tpu.barrier barrier_id(%barrier3A_45)
    "tpu.region"() ({
      %run_scoped3A = tpu.sem_alloc : memref<!tpu.dma_semaphore, #tpu.memory_space<semaphore_mem>>
      %dma_start3A_46 = arith.constant 0 : i32
      %dma_start3A_47 = tpu.memref_slice %arg5[%arg0, %mul3A_17, %dma_start3A_46] : memref<2x10240x16xf32, #tpu.memory_space<hbm>> -> memref<1x640x16xf32, #tpu.memory_space<hbm>>
      %dma_start3A_48 = tpu.memref_squeeze %dma_start3A_47 : memref<1x640x16xf32, #tpu.memory_space<hbm>> -> memref<640x16xf32, #tpu.memory_space<hbm>>
      %dma_start3A_49 = arith.constant 0 : i32
      %dma_start3A_50 = tpu.memref_slice %arg10[%mul3A_17, %dma_start3A_49] : memref<10240x16xf32, #tpu.memory_space<vmem_shared>> -> memref<640x16xf32, #tpu.memory_space<vmem_shared>>
      tpu.enqueue_dma source(%dma_start3A_50 : memref<640x16xf32, #tpu.memory_space<vmem_shared>>) target(%dma_start3A_48 : memref<640x16xf32, #tpu.memory_space<hbm>>) target_semaphore(%run_scoped3A : memref<!tpu.dma_semaphore, #tpu.memory_space<semaphore_mem>>)
      %dma_wait3A_51 = arith.constant 0 : i32
      %dma_wait3A_52 = tpu.memref_slice %arg5[%arg0, %mul3A_17, %dma_wait3A_51] : memref<2x10240x16xf32, #tpu.memory_space<hbm>> -> memref<1x640x16xf32, #tpu.memory_space<hbm>>
      %dma_wait3A_53 = tpu.memref_squeeze %dma_wait3A_52 : memref<1x640x16xf32, #tpu.memory_space<hbm>> -> memref<640x16xf32, #tpu.memory_space<hbm>>
      %dma_wait3A_54 = arith.constant 0 : i32
      %dma_wait3A_55 = tpu.memref_slice %arg10[%mul3A_17, %dma_wait3A_54] : memref<10240x16xf32, #tpu.memory_space<vmem_shared>> -> memref<640x16xf32, #tpu.memory_space<vmem_shared>>
      tpu.wait_dma2 semaphore(%run_scoped3A : memref<!tpu.dma_semaphore, #tpu.memory_space<semaphore_mem>>) src(%dma_wait3A_55 : memref<640x16xf32, #tpu.memory_space<vmem_shared>>) dst(%dma_wait3A_53 : memref<640x16xf32, #tpu.memory_space<hbm>>)
      tpu.yield
    }) : () -> ()
    return
  }
}

module attributes {stable_mosaic.version = 14 : i64} {
  func.func @_tc1_body(%arg0: i32, %arg1: memref<2048x128xf32, #tpu.memory_space<vmem>>, %arg2: memref<128x16xf32, #tpu.memory_space<vmem>>, %arg3: memref<32x128x16xf32, #tpu.memory_space<vmem>>, %arg4: memref<2048x16xf32, #tpu.memory_space<vmem>>, %arg5: memref<2048x16xf32, #tpu.memory_space<vmem>>) attributes {dimension_semantics = [#tpu.dimension_semantics<arbitrary>], iteration_bounds = array<i64: 5>, scalar_prefetch = 0 : i64, scratch_operands = 0 : i64, tpu.core_type = #tpu.core_type<tc>, window_params = [{transform_indices = @transform_0, window_bounds = array<i64: 2048, 128>}, {pipeline_mode = #tpu.pipeline_mode<synchronous>, transform_indices = @transform_1, window_bounds = array<i64: 128, 16>}, {transform_indices = @transform_2, window_bounds = array<i64: 32, 128, 16>}, {transform_indices = @transform_3, window_bounds = array<i64: 2048, 16>}, {transform_indices = @transform_4, window_bounds = array<i64: 2048, 16>}]} {
    %get3A = arith.constant 0 : index
    %get3A_0 = arith.constant 0 : index
    %get3A_1 = vector.load %arg1[%get3A, %get3A_0] : memref<2048x128xf32, #tpu.memory_space<vmem>>, vector<2048x128xf32>
    %convert_element_type3A = arith.truncf %get3A_1 : vector<2048x128xf32> to vector<2048x128xbf16>
    %get3A_2 = arith.constant 0 : index
    %get3A_3 = arith.constant 0 : index
    %get3A_4 = vector.load %arg2[%get3A_2, %get3A_3] : memref<128x16xf32, #tpu.memory_space<vmem>>, vector<128x16xf32>
    %convert_element_type3A_5 = arith.truncf %get3A_4 : vector<128x16xf32> to vector<128x16xbf16>
    %dot_general3A = arith.constant dense<0.000000e+00> : vector<2048x16xf32>
    %dot_general3A_6 = tpu.matmul %convert_element_type3A, %convert_element_type3A_5, %dot_general3A {dimension_numbers = #tpu.dot_dimension_numbers<[1], [0], [0], [1], [0, 0, 1, 1], [], []>, transpose_lhs_hint = false} : vector<2048x128xbf16>, vector<128x16xbf16>, vector<2048x16xf32> -> vector<2048x16xf32>
    %get3A_7 = arith.constant 0 : index
    %get3A_8 = arith.constant 0 : index
    %get3A_9 = arith.constant 0 : index
    %get3A_10 = vector.load %arg3[%get3A_7, %get3A_8, %get3A_9] : memref<32x128x16xf32, #tpu.memory_space<vmem>>, vector<32x128x16xf32>
    %reduce_sum3A = arith.constant dense<0.000000e+00> : vector<128x16xf32>
    %reduce_sum3A_11 = vector.multi_reduction <add>, %get3A_10, %reduce_sum3A [0] : vector<32x128x16xf32> to vector<128x16xf32>
    %add3A = arith.constant 1.000000e+00 : f32
    %add3A_12 = vector.broadcast %add3A : f32 to vector<128x16xf32>
    %add3A_13 = arith.addf %reduce_sum3A_11, %add3A_12 : vector<128x16xf32>
    %sqrt3A = math.sqrt %add3A_13 : vector<128x16xf32>
    %div3A = arith.constant 1.000000e+00 : f32
    %div3A_14 = vector.broadcast %div3A : f32 to vector<128x16xf32>
    %div3A_15 = arith.divf %div3A_14, %sqrt3A : vector<128x16xf32>
    %iota3A = tpu.iota {dimensions = array<i32: 0>} : vector<2048x128xi32>
    %iota3A_16 = tpu.iota {dimensions = array<i32: 1>} : vector<2048x128xi32>
    %shift_right_arithmetic3A = arith.constant 4 : i32
    %shift_right_arithmetic3A_17 = vector.broadcast %shift_right_arithmetic3A : i32 to vector<2048x128xi32>
    %shift_right_arithmetic3A_18 = arith.shrsi %iota3A, %shift_right_arithmetic3A_17 : vector<2048x128xi32>
    %eq3A = arith.cmpi eq, %shift_right_arithmetic3A_18, %iota3A_16 : vector<2048x128xi32>
    %convert_element_type3A_19 = arith.extui %eq3A : vector<2048x128xi1> to vector<2048x128xi32>
    %convert_element_type3A_20 = arith.sitofp %convert_element_type3A_19 : vector<2048x128xi32> to vector<2048x128xf32>
    %dot_general3A_21 = arith.constant dense<0.000000e+00> : vector<2048x16xf32>
    %dot_general3A_22 = tpu.matmul %convert_element_type3A_20, %div3A_15, %dot_general3A_21 {dimension_numbers = #tpu.dot_dimension_numbers<[1], [0], [0], [1], [0, 0, 1, 1], [], []>, precision = #tpu.contract_precision<fp32>, transpose_lhs_hint = false} : vector<2048x128xf32>, vector<128x16xf32>, vector<2048x16xf32> -> vector<2048x16xf32>
    %iota3A_23 = tpu.iota {dimensions = array<i32: 1>} : vector<2048x16xi32>
    %iota3A_24 = tpu.iota {dimensions = array<i32: 0>} : vector<2048x16xi32>
    %and3A = arith.constant 15 : i32
    %and3A_25 = vector.broadcast %and3A : i32 to vector<2048x16xi32>
    %and3A_26 = arith.andi %iota3A_24, %and3A_25 : vector<2048x16xi32>
    %eq3A_27 = arith.cmpi eq, %iota3A_23, %and3A_26 : vector<2048x16xi32>
    %jit3A = arith.constant 0.000000e+00 : f32
    %broadcast_in_dim3A = vector.broadcast %jit3A : f32 to vector<2048x16xf32>
    %select_n3A = arith.select %eq3A_27, %dot_general3A_22, %broadcast_in_dim3A : vector<2048x16xi1>, vector<2048x16xf32>
    %reduce_sum3A_28 = arith.constant dense<0.000000e+00> : vector<2048xf32>
    %reduce_sum3A_29 = vector.multi_reduction <add>, %select_n3A, %reduce_sum3A_28 [1] : vector<2048x16xf32> to vector<2048xf32>
    %broadcast_in_dim3A_30 = vector.shape_cast %reduce_sum3A_29 : vector<2048xf32> to vector<2048x1xf32>
    %broadcast_in_dim3A_31 = vector.shape_cast %broadcast_in_dim3A_30 : vector<2048x1xf32> to vector<2048x1xf32>
    %broadcast_in_dim3A_32 = vector.broadcast %broadcast_in_dim3A_31 : vector<2048x1xf32> to vector<2048x16xf32>
    %swap3A = arith.constant 0 : index
    %swap3A_33 = arith.constant 0 : index
    %swap3A_34 = vector.load %arg5[%swap3A, %swap3A_33] : memref<2048x16xf32, #tpu.memory_space<vmem>>, vector<2048x16xf32>
    tpu.vector_store %arg5[%swap3A, %swap3A_33], %broadcast_in_dim3A_32 {strides = array<i32>} : memref<2048x16xf32, #tpu.memory_space<vmem>>, vector<2048x16xf32>,
    %mul3A = vector.broadcast %broadcast_in_dim3A_30 : vector<2048x1xf32> to vector<2048x16xf32>
    %mul3A_35 = arith.mulf %dot_general3A_6, %mul3A : vector<2048x16xf32>
    %swap3A_36 = arith.constant 0 : index
    %swap3A_37 = arith.constant 0 : index
    %swap3A_38 = vector.load %arg4[%swap3A_36, %swap3A_37] : memref<2048x16xf32, #tpu.memory_space<vmem>>, vector<2048x16xf32>
    tpu.vector_store %arg4[%swap3A_36, %swap3A_37], %mul3A_35 {strides = array<i32>} : memref<2048x16xf32, #tpu.memory_space<vmem>>, vector<2048x16xf32>,
    return
  }
  func.func @transform_0(%arg0: i32) -> (i32, i32) {
    %c0_i32 = arith.constant 0 : i32
    %c0_i32_0 = arith.constant 0 : i32
    return %arg0, %c0_i32 : i32, i32
  }
  func.func @transform_1(%arg0: i32) -> (i32, i32) {
    %c0_i32 = arith.constant 0 : i32
    %c0_i32_0 = arith.constant 0 : i32
    %c0_i32_1 = arith.constant 0 : i32
    return %c0_i32, %c0_i32_0 : i32, i32
  }
  func.func @transform_2(%arg0: i32) -> (i32, i32, i32) {
    %c0_i32 = arith.constant 0 : i32
    %c0_i32_0 = arith.constant 0 : i32
    %c0_i32_1 = arith.constant 0 : i32
    return %c0_i32, %arg0, %c0_i32_0 : i32, i32, i32
  }
  func.func @transform_3(%arg0: i32) -> (i32, i32) {
    %c0_i32 = arith.constant 0 : i32
    %c0_i32_0 = arith.constant 0 : i32
    return %arg0, %c0_i32 : i32, i32
  }
  func.func @transform_4(%arg0: i32) -> (i32, i32) {
    %c0_i32 = arith.constant 0 : i32
    %c0_i32_0 = arith.constant 0 : i32
    return %arg0, %c0_i32 : i32, i32
  }
}

module attributes {stable_mosaic.version = 14 : i64} {
  func.func @_tc2_body(%arg0: i32, %arg1: memref<2x2000x16xf32, #tpu.memory_space<vmem>>, %arg2: memref<2000x16xf32, #tpu.memory_space<vmem>>, %arg3: memref<2000x16xf32, #tpu.memory_space<vmem>>, %arg4: memref<16x16xf32, #tpu.memory_space<vmem>>, %arg5: memref<1x16xf32, #tpu.memory_space<vmem>>, %arg6: memref<2000x16xf32, #tpu.memory_space<vmem>>) attributes {dimension_semantics = [#tpu.dimension_semantics<arbitrary>], iteration_bounds = array<i64: 5>, scalar_prefetch = 0 : i64, scratch_operands = 0 : i64, tpu.core_type = #tpu.core_type<tc>, window_params = [{transform_indices = @transform_0, window_bounds = array<i64: 2, 2000, 16>}, {transform_indices = @transform_1, window_bounds = array<i64: 2000, 16>}, {transform_indices = @transform_2, window_bounds = array<i64: 2000, 16>}, {pipeline_mode = #tpu.pipeline_mode<synchronous>, transform_indices = @transform_3, window_bounds = array<i64: 16, 16>}, {pipeline_mode = #tpu.pipeline_mode<synchronous>, transform_indices = @transform_4, window_bounds = array<i64: 1, 16>}, {transform_indices = @transform_5, window_bounds = array<i64: 2000, 16>}]} {
    %get3A = arith.constant 0 : index
    %get3A_0 = arith.constant 0 : index
    %get3A_1 = vector.load %arg3[%get3A, %get3A_0] : memref<2000x16xf32, #tpu.memory_space<vmem>>, vector<2000x16xf32>
    %get3A_2 = arith.constant 0 : index
    %get3A_3 = arith.constant 0 : index
    %get3A_4 = arith.constant 0 : index
    %get3A_5 = vector.load %arg1[%get3A_2, %get3A_3, %get3A_4] : memref<2x2000x16xf32, #tpu.memory_space<vmem>>, vector<1x2000x16xf32>
    %get3A_6 = vector.shape_cast %get3A_5 : vector<1x2000x16xf32> to vector<2000x16xf32>
    %get3A_7 = arith.constant 1 : index
    %get3A_8 = arith.constant 0 : index
    %get3A_9 = arith.constant 0 : index
    %get3A_10 = vector.load %arg1[%get3A_7, %get3A_8, %get3A_9] : memref<2x2000x16xf32, #tpu.memory_space<vmem>>, vector<1x2000x16xf32>
    %get3A_11 = vector.shape_cast %get3A_10 : vector<1x2000x16xf32> to vector<2000x16xf32>
    %add3A = arith.addf %get3A_6, %get3A_11 : vector<2000x16xf32>
    %get3A_12 = arith.constant 0 : index
    %get3A_13 = arith.constant 0 : index
    %get3A_14 = vector.load %arg2[%get3A_12, %get3A_13] : memref<2000x16xf32, #tpu.memory_space<vmem>>, vector<2000x16xf32>
    %sub3A = arith.subf %add3A, %get3A_14 : vector<2000x16xf32>
    %mul3A = arith.mulf %get3A_1, %sub3A : vector<2000x16xf32>
    %get3A_15 = arith.constant 0 : index
    %get3A_16 = arith.constant 0 : index
    %get3A_17 = vector.load %arg5[%get3A_15, %get3A_16] : memref<1x16xf32, #tpu.memory_space<vmem>>, vector<1x16xf32>
    %add3A_18 = vector.broadcast %get3A_17 : vector<1x16xf32> to vector<2000x16xf32>
    %add3A_19 = arith.addf %mul3A, %add3A_18 : vector<2000x16xf32>
    %max3A = arith.constant 0.000000e+00 : f32
    %max3A_20 = vector.broadcast %max3A : f32 to vector<2000x16xf32>
    %max3A_21 = arith.maximumf %add3A_19, %max3A_20 : vector<2000x16xf32>
    %convert_element_type3A = arith.truncf %max3A_21 : vector<2000x16xf32> to vector<2000x16xbf16>
    %get3A_22 = arith.constant 0 : index
    %get3A_23 = arith.constant 0 : index
    %get3A_24 = vector.load %arg4[%get3A_22, %get3A_23] : memref<16x16xf32, #tpu.memory_space<vmem>>, vector<16x16xf32>
    %convert_element_type3A_25 = arith.truncf %get3A_24 : vector<16x16xf32> to vector<16x16xbf16>
    %dot_general3A = arith.constant dense<0.000000e+00> : vector<2000x16xf32>
    %dot_general3A_26 = tpu.matmul %convert_element_type3A, %convert_element_type3A_25, %dot_general3A {dimension_numbers = #tpu.dot_dimension_numbers<[1], [0], [0], [1], [0, 0, 1, 1], [], []>, transpose_lhs_hint = false} : vector<2000x16xbf16>, vector<16x16xbf16>, vector<2000x16xf32> -> vector<2000x16xf32>
    %get3A_27 = arith.constant 0 : index
    %get3A_28 = arith.constant 0 : index
    %get3A_29 = vector.load %arg3[%get3A_27, %get3A_28] : memref<2000x16xf32, #tpu.memory_space<vmem>>, vector<2000x16xf32>
    %mul3A_30 = arith.mulf %dot_general3A_26, %get3A_29 : vector<2000x16xf32>
    %swap3A = arith.constant 0 : index
    %swap3A_31 = arith.constant 0 : index
    %swap3A_32 = vector.load %arg6[%swap3A, %swap3A_31] : memref<2000x16xf32, #tpu.memory_space<vmem>>, vector<2000x16xf32>
    tpu.vector_store %arg6[%swap3A, %swap3A_31], %mul3A_30 {strides = array<i32>} : memref<2000x16xf32, #tpu.memory_space<vmem>>, vector<2000x16xf32>,
    return
  }
  func.func @transform_0(%arg0: i32) -> (i32, i32, i32) {
    %c0_i32 = arith.constant 0 : i32
    %c0_i32_0 = arith.constant 0 : i32
    %c0_i32_1 = arith.constant 0 : i32
    return %c0_i32, %arg0, %c0_i32_0 : i32, i32, i32
  }
  func.func @transform_1(%arg0: i32) -> (i32, i32) {
    %c0_i32 = arith.constant 0 : i32
    %c0_i32_0 = arith.constant 0 : i32
    return %arg0, %c0_i32 : i32, i32
  }
  func.func @transform_2(%arg0: i32) -> (i32, i32) {
    %c0_i32 = arith.constant 0 : i32
    %c0_i32_0 = arith.constant 0 : i32
    return %arg0, %c0_i32 : i32, i32
  }
  func.func @transform_3(%arg0: i32) -> (i32, i32) {
    %c0_i32 = arith.constant 0 : i32
    %c0_i32_0 = arith.constant 0 : i32
    %c0_i32_1 = arith.constant 0 : i32
    return %c0_i32, %c0_i32_0 : i32, i32
  }
  func.func @transform_4(%arg0: i32) -> (i32, i32) {
    %c0_i32 = arith.constant 0 : i32
    %c0_i32_0 = arith.constant 0 : i32
    %c0_i32_1 = arith.constant 0 : i32
    return %c0_i32, %c0_i32_0 : i32, i32
  }
  func.func @transform_5(%arg0: i32) -> (i32, i32) {
    %c0_i32 = arith.constant 0 : i32
    %c0_i32_0 = arith.constant 0 : i32
    return %arg0, %c0_i32 : i32, i32
  }
}

module attributes {stable_mosaic.version = 14 : i64} {
  func.func @_tc3_body(%arg0: i32, %arg1: memref<2x2000x16xf32, #tpu.memory_space<vmem>>, %arg2: memref<2000x16xf32, #tpu.memory_space<vmem>>, %arg3: memref<2000x16xf32, #tpu.memory_space<vmem>>, %arg4: memref<1x16xf32, #tpu.memory_space<vmem>>, %arg5: memref<1x16xf32, #tpu.memory_space<vmem>>, %arg6: memref<1x1xf32, #tpu.memory_space<vmem>>, %arg7: memref<2000x1xf32, #tpu.memory_space<vmem>>) attributes {dimension_semantics = [#tpu.dimension_semantics<arbitrary>], iteration_bounds = array<i64: 5>, scalar_prefetch = 0 : i64, scratch_operands = 0 : i64, tpu.core_type = #tpu.core_type<tc>, window_params = [{transform_indices = @transform_0, window_bounds = array<i64: 2, 2000, 16>}, {transform_indices = @transform_1, window_bounds = array<i64: 2000, 16>}, {transform_indices = @transform_2, window_bounds = array<i64: 2000, 16>}, {pipeline_mode = #tpu.pipeline_mode<synchronous>, transform_indices = @transform_3, window_bounds = array<i64: 1, 16>}, {pipeline_mode = #tpu.pipeline_mode<synchronous>, transform_indices = @transform_4, window_bounds = array<i64: 1, 16>}, {pipeline_mode = #tpu.pipeline_mode<synchronous>, transform_indices = @transform_5, window_bounds = array<i64: 1, 1>}, {transform_indices = @transform_6, window_bounds = array<i64: 2000, 1>}]} {
    %get3A = arith.constant 0 : index
    %get3A_0 = arith.constant 0 : index
    %get3A_1 = vector.load %arg3[%get3A, %get3A_0] : memref<2000x16xf32, #tpu.memory_space<vmem>>, vector<2000x16xf32>
    %get3A_2 = arith.constant 0 : index
    %get3A_3 = arith.constant 0 : index
    %get3A_4 = arith.constant 0 : index
    %get3A_5 = vector.load %arg1[%get3A_2, %get3A_3, %get3A_4] : memref<2x2000x16xf32, #tpu.memory_space<vmem>>, vector<1x2000x16xf32>
    %get3A_6 = vector.shape_cast %get3A_5 : vector<1x2000x16xf32> to vector<2000x16xf32>
    %get3A_7 = arith.constant 1 : index
    %get3A_8 = arith.constant 0 : index
    %get3A_9 = arith.constant 0 : index
    %get3A_10 = vector.load %arg1[%get3A_7, %get3A_8, %get3A_9] : memref<2x2000x16xf32, #tpu.memory_space<vmem>>, vector<1x2000x16xf32>
    %get3A_11 = vector.shape_cast %get3A_10 : vector<1x2000x16xf32> to vector<2000x16xf32>
    %add3A = arith.addf %get3A_6, %get3A_11 : vector<2000x16xf32>
    %get3A_12 = arith.constant 0 : index
    %get3A_13 = arith.constant 0 : index
    %get3A_14 = vector.load %arg2[%get3A_12, %get3A_13] : memref<2000x16xf32, #tpu.memory_space<vmem>>, vector<2000x16xf32>
    %sub3A = arith.subf %add3A, %get3A_14 : vector<2000x16xf32>
    %mul3A = arith.mulf %get3A_1, %sub3A : vector<2000x16xf32>
    %get3A_15 = arith.constant 0 : index
    %get3A_16 = arith.constant 0 : index
    %get3A_17 = vector.load %arg4[%get3A_15, %get3A_16] : memref<1x16xf32, #tpu.memory_space<vmem>>, vector<1x16xf32>
    %add3A_18 = vector.broadcast %get3A_17 : vector<1x16xf32> to vector<2000x16xf32>
    %add3A_19 = arith.addf %mul3A, %add3A_18 : vector<2000x16xf32>
    %max3A = arith.constant 0.000000e+00 : f32
    %max3A_20 = vector.broadcast %max3A : f32 to vector<2000x16xf32>
    %max3A_21 = arith.maximumf %add3A_19, %max3A_20 : vector<2000x16xf32>
    %convert_element_type3A = arith.truncf %max3A_21 : vector<2000x16xf32> to vector<2000x16xbf16>
    %convert_element_type3A_22 = arith.extf %convert_element_type3A : vector<2000x16xbf16> to vector<2000x16xf32>
    %get3A_23 = arith.constant 0 : index
    %get3A_24 = arith.constant 0 : index
    %get3A_25 = vector.load %arg5[%get3A_23, %get3A_24] : memref<1x16xf32, #tpu.memory_space<vmem>>, vector<1x16xf32>
    %convert_element_type3A_26 = arith.truncf %get3A_25 : vector<1x16xf32> to vector<1x16xbf16>
    %convert_element_type3A_27 = arith.extf %convert_element_type3A_26 : vector<1x16xbf16> to vector<1x16xf32>
    %mul3A_28 = vector.broadcast %convert_element_type3A_27 : vector<1x16xf32> to vector<2000x16xf32>
    %mul3A_29 = arith.mulf %convert_element_type3A_22, %mul3A_28 : vector<2000x16xf32>
    %reduce_sum3A = arith.constant dense<0.000000e+00> : vector<2000xf32>
    %reduce_sum3A_30 = vector.multi_reduction <add>, %mul3A_29, %reduce_sum3A [1] : vector<2000x16xf32> to vector<2000xf32>
    %broadcast_in_dim3A = vector.shape_cast %reduce_sum3A_30 : vector<2000xf32> to vector<2000x1xf32>
    %get3A_31 = arith.constant 0 : index
    %get3A_32 = arith.constant 0 : index
    %get3A_33 = vector.load %arg6[%get3A_31, %get3A_32] : memref<1x1xf32, #tpu.memory_space<vmem>>, vector<1x1xf32>
    %add3A_34 = vector.broadcast %get3A_33 : vector<1x1xf32> to vector<2000x1xf32>
    %add3A_35 = arith.addf %broadcast_in_dim3A, %add3A_34 : vector<2000x1xf32>
    %swap3A = arith.constant 0 : index
    %swap3A_36 = arith.constant 0 : index
    %swap3A_37 = vector.load %arg7[%swap3A, %swap3A_36] : memref<2000x1xf32, #tpu.memory_space<vmem>>, vector<2000x1xf32>
    tpu.vector_store %arg7[%swap3A, %swap3A_36], %add3A_35 {strides = array<i32>} : memref<2000x1xf32, #tpu.memory_space<vmem>>, vector<2000x1xf32>,
    return
  }
  func.func @transform_0(%arg0: i32) -> (i32, i32, i32) {
    %c0_i32 = arith.constant 0 : i32
    %c0_i32_0 = arith.constant 0 : i32
    %c0_i32_1 = arith.constant 0 : i32
    return %c0_i32, %arg0, %c0_i32_0 : i32, i32, i32
  }
  func.func @transform_1(%arg0: i32) -> (i32, i32) {
    %c0_i32 = arith.constant 0 : i32
    %c0_i32_0 = arith.constant 0 : i32
    return %arg0, %c0_i32 : i32, i32
  }
  func.func @transform_2(%arg0: i32) -> (i32, i32) {
    %c0_i32 = arith.constant 0 : i32
    %c0_i32_0 = arith.constant 0 : i32
    return %arg0, %c0_i32 : i32, i32
  }
  func.func @transform_3(%arg0: i32) -> (i32, i32) {
    %c0_i32 = arith.constant 0 : i32
    %c0_i32_0 = arith.constant 0 : i32
    %c0_i32_1 = arith.constant 0 : i32
    return %c0_i32, %c0_i32_0 : i32, i32
  }
  func.func @transform_4(%arg0: i32) -> (i32, i32) {
    %c0_i32 = arith.constant 0 : i32
    %c0_i32_0 = arith.constant 0 : i32
    %c0_i32_1 = arith.constant 0 : i32
    return %c0_i32, %c0_i32_0 : i32, i32
  }
  func.func @transform_5(%arg0: i32) -> (i32, i32) {
    %c0_i32 = arith.constant 0 : i32
    %c0_i32_0 = arith.constant 0 : i32
    %c0_i32_1 = arith.constant 0 : i32
    return %c0_i32, %c0_i32_0 : i32, i32
  }
  func.func @transform_6(%arg0: i32) -> (i32, i32) {
    %c0_i32 = arith.constant 0 : i32
    %c0_i32_0 = arith.constant 0 : i32
    return %arg0, %c0_i32 : i32, i32
  }
}

</mosaic_0001>

<sc_bundles>
// kernel: kernel.11.cloned.1.call-start
scs
__scs_entry_jumppad:
0x0: {  	(pc) =	sbr.rel $0x88, $3  }
0x1: {  	(tag) =	ssettag $0x0;
	lr =	simm.s32 $0x1  }
0x2: {  	[smem:$0x3F99] =	sst lr;
	_ =	strace $0xD0000000  }
0x3: {  	_ = 	snop  }
0x4: {  	_ = 	snop  }
0x5: {  	_ = 	snop  }
0x6: {  	_ = 	snop  }
0x7: {  	_ = 	snop  }
__scs_overlays_trampoline_lowered:
0x8: {  	[smem:$0x3FA8] =	sst s0  }
0x9: {  	[smem:$0x3FA9] =	sst s1  }
0xa: {  	[smem:$0x3FAA] =	sst s2  }
0xb: {  	[smem:$0x3FAB] =	sst s3  }
0xc: {  	[smem:$0x3FAC] =	sst s4  }
0xd: {  	[smem:$0x3FAD] =	sst s5  }
0xe: {  	[smem:$0x3FAE] =	sst s6  }
0xf: {  	[smem:$0x3FAF] =	sst s7  }
0x10: {  	[smem:$0x3FB0] =	sst s8  }
0x11: {  	[smem:$0x3FB1] =	sst s9;
	s0 =	simm.s32 @!p0 $0x0  }
0x12: {  	s1 =	sld [smem:$0x3F97];
	s0 =	simm.s32 @p0 $0x1  }
0x13: {  	[smem:$0x3FB2] =	sst s0;
	s0 =	simm.s32 @!p1 $0x0  }
0x14: {  	s2 =	sld [smem:$0x3F96];
	s0 =	simm.s32 @p1 $0x1  }
0x15: {  	[smem:$0x3FB3] =	sst s0;
	s0 =	simm.s32 @!p2 $0x0  }
0x16: {  	s3 =	sld [smem:$0x3FDB];
	s0 =	simm.s32 @p2 $0x1  }
0x17: {  	s4 =	simm.s32 $0x1BF5;
	[smem:$0x3FB5] =	sst s0  }
0x18: {  	s0 =	sld [smem:$0x3F98];
	_ =	swait.ge [sflag:s4], $0x0  }
0x19: {  	s7 =	sld [smem:$0x3F99]  }
0x1a: {  	s8 =	sadd.s32 $0xFFFFE003, lr  }
0x1b: {  	s9 =	sadd.s32 $0xFFFFFEF7, lr;
	s5 =	simm.s32 $0xFFFFFFFF;
	p2 =	slt.u32 s8, $0xFFFFF086  }
0x1c: {  	p1 =	slt.u32 s9, $0xF7A;
	s5 =	simm.s32 @!p2 $0x0  }
0x1d: {  	s5 =	simm.s32 @p1 $0x1;
	p0 =	seq.s32 s7, s2  }
0x1e: {  	s7 =	smul.u32 @!p0 $0xF7A, s2;
	p2 =	seq.s32 @!p0 s5, $0x0  }
0x1f: {  	s9 =	smul.u32 $0xF7A, s1;
	s8 =	simm.s32 @!p0 $0x1BF5;
	p2 =	por !p2, p0  }
0x20: {  	[sflag:s8] =	ssyncset.s32 @!p0 $0xFFFFF086;
	s6 =	sadd.s32 @!p0 s3, s7;
	s7 =	simm.s32 @!p0 $0x108  }
0x21: {  	s3 =	sadd.s32 s3, s9;
	s6 =	sadd.s32 @!p0 $0x88, s6;
	s7 =	simm.s32 @p2 $0x1082  }
0x22: {  	[simem:s7], [sflag:s8] =	dma.local @!p0 [hbm:s6], $0xF7A  }
0x23: {  	s9 =	sor.u32 $0xD0000000, s2;
	s6 =	simm.s32 $0x108;
	_ =	swait.ge @!p0 [sflag:s8], $0x0  }
0x24: {  	s3 =	sadd.s32 $0x88, s3;
	s6 =	simm.s32 @!p1 $0x1082;
	[sflag:s4] =	ssyncset.s32 $0xFFFFF086  }
0x25: {  	[simem:s6], [sflag:s4] =	dma.local [hbm:s3], $0xF7A  }
0x26: {  	[smem:$0x3F99] =	sst s1;
	(tag) =	ssettag s2;
	_ =	strace s9  }
0x27: {  	s1 =	sld [smem:$0x3FA9]  }
0x28: {  	s2 =	sld [smem:$0x3FAA]  }
0x29: {  	s4 =	sld [smem:$0x3FAC]  }
0x2a: {  	p0 =	seq.s32 s5, $0x0;
	s5 =	sld [smem:$0x3FAD]  }
0x2b: {  	s6 =	sld [smem:$0x3FAE]  }
0x2c: {  	s7 =	sld [smem:$0x3FAF]  }
0x2d: {  	s3 =	simm.s32 $0x108;
	s8 =	sld [smem:$0x3FB0]  }
0x2e: {  	s3 =	simm.s32 @!p0 $0x1082;
	s9 =	sld [smem:$0x3FB1]  }
0x2f: {  	lr =	sadd.s32 s0, s3;
	s0 =	sld [smem:$0x3FA8]  }
0x30: {  	s3 =	sld [smem:$0x3FAB]  }
0x31: {  	[smem:$0x3FB4] =	sst s10  }
0x32: {  	s10 =	sld [smem:$0x3FB2];
	_ =	sdelay $0x3  }
0x33: {  	p0 =	seq.s32 s10, $0x1;
	s10 =	sld [smem:$0x3FB4];
	_ =	sdelay $0x3  }
0x34: {  	[smem:$0x3FB4] =	sst s10  }
0x35: {  	s10 =	sld [smem:$0x3FB3];
	_ =	sdelay $0x3  }
0x36: {  	p1 =	seq.s32 s10, $0x1;
	s10 =	sld [smem:$0x3FB4];
	_ =	sdelay $0x3  }
0x37: {  	[smem:$0x3FB4] =	sst s10  }
0x38: {  	s10 =	sld [smem:$0x3FB5]  }
0x39: {  	_ = 	snop;
	(pc) =	sbr.ind lr, $3  }
0x3a: {  	_ = 	snop  }
0x3b: {  	_ = 	snop  }
0x3c: {  	p2 =	seq.s32 s10, $0x1;
	s10 =	sld [smem:$0x3FB4]  }
0x3d: {  	_ =	shalt  }
0x3e: {  	_ =	shalt  }
0x3f: {  	_ =	shalt  }
0x40: {  	_ =	shalt  }
0x41: {  	_ =	shalt  }
0x42: {  	_ =	shalt  }
0x43: {  	_ =	shalt  }
0x44: {  	_ =	shalt  }
0x45: {  	_ =	shalt  }
0x46: {  	_ =	shalt  }
0x47: {  	_ =	shalt  }
0x48: {  	_ =	shalt  }
0x49: {  	_ =	shalt  }
0x4a: {  	_ =	shalt  }
0x4b: {  	_ =	shalt  }
0x4c: {  	_ =	shalt  }
0x4d: {  	_ =	shalt  }
0x4e: {  	_ =	shalt  }
0x4f: {  	_ =	shalt  }
0x50: {  	_ =	shalt  }
0x51: {  	_ =	shalt  }
0x52: {  	_ =	shalt  }
0x53: {  	_ =	shalt  }
0x54: {  	_ =	shalt  }
0x55: {  	_ =	shalt  }
0x56: {  	_ =	shalt  }
0x57: {  	_ =	shalt  }
0x58: {  	_ =	shalt  }
0x59: {  	_ =	shalt  }
0x5a: {  	_ =	shalt  }
0x5b: {  	_ =	shalt  }
0x5c: {  	_ =	shalt  }
0x5d: {  	_ =	shalt  }
0x5e: {  	_ =	shalt  }
0x5f: {  	_ =	shalt  }
0x60: {  	_ =	shalt  }
0x61: {  	_ =	shalt  }
0x62: {  	_ =	shalt  }
0x63: {  	_ =	shalt  }
0x64: {  	_ =	shalt  }
0x65: {  	_ =	shalt  }
0x66: {  	_ =	shalt  }
0x67: {  	_ =	shalt  }
0x68: {  	_ =	shalt  }
0x69: {  	_ =	shalt  }
0x6a: {  	_ =	shalt  }
0x6b: {  	_ =	shalt  }
0x6c: {  	_ =	shalt  }
0x6d: {  	_ =	shalt  }
0x6e: {  	_ =	shalt  }
0x6f: {  	_ =	shalt  }
0x70: {  	_ =	shalt  }
0x71: {  	_ =	shalt  }
0x72: {  	_ =	shalt  }
0x73: {  	_ =	shalt  }
0x74: {  	_ =	shalt  }
0x75: {  	_ =	shalt  }
0x76: {  	_ =	shalt  }
0x77: {  	_ =	shalt  }
0x78: {  	_ =	shalt  }
0x79: {  	_ =	shalt  }
0x7a: {  	_ =	shalt  }
0x7b: {  	_ =	shalt  }
0x7c: {  	_ =	shalt  }
0x7d: {  	_ =	shalt  }
0x7e: {  	_ =	shalt  }
0x7f: {  	_ =	shalt  }
0x80: {  	_ =	shalt  }
0x81: {  	_ =	shalt  }
0x82: {  	_ =	shalt  }
0x83: {  	_ =	shalt  }
0x84: {  	_ =	shalt  }
0x85: {  	_ =	shalt  }
0x86: {  	_ =	shalt  }
0x87: {  	_ =	shalt  }
.Lfunc_end0:
.L_simem_size_0:
called_computation.1_lowered:
.L_overlay_start_0:
0x88: {  	s2 =	sld [smem:$0x3FD9]  }
0x89: {  	s3 =	sld [smem:$0x3FFE];
	_ =	sdelay $0x1  }
0x8a: {  	s1 =	srdreg.scid  }
0x8b: {  	s0 =	sand.u32 $0x1, s1  }
0x8c: {  	s16 =	sshll.u32 s0, $0xA;
	s2 =	sadd.s32 s3, s2  }
0x8d: {  	s2 =	sadd.s32 s2, s16  }
0x8e: {  	[smem:$0x3FC0] =	sst s2  }
0x8f: {  	_ = 	snop  }
0x90: {  	(tm) =	ssettm $0x1  }
0x91: {  	s17 =	sld [smem:$0x3FFB];
	_ =	sdelay $0x3  }
0x92: {  	_ =	strace s17  }
0x93: {  	s2 =	sld [smem:$0x3FFC];
	_ =	sdelay $0x3  }
0x94: {  	_ =	strace s2  }
0x95: {  	s2 =	sld [smem:$0x3FFD];
	_ =	sdelay $0x3  }
0x96: {  	_ =	strace s2  }
0x97: {  	_ =	strace $0x8FFFFFFF  }
0x98: {  	s18 =	sld [smem:$0x3FDB];
	_ =	sdelay $0x1  }
0x99: {  	s19 =	simm.s32 $_scs_section_size  }
0x9a: {  	s4 =	simm.s32 $_size__tile_overlayer_lowered;
	s5 =	simm.s32 $_tile_overlayer_lowered  }
0x9b: {  	s22 =	simm.s32 $0x1BFF;
	s21 =	sshll.u32 s5, $0x1;
	s2 =	sadd.s32 s19, s18  }
0x9c: {  	s6 =	simm.s32 $0x0;
	s20 =	sshll.u32 s4, $0x1;
	s4 =	sadd.s32 s21, s2  }
0x9d: {  	[timem:s6], [sflag:s22] =	dma.local [hbm:s4], s20  }
0x9e: {  	_ =	swait.ge [sflag:s22], s20  }
0x9f: {  	s3 =	ssub.s32 $0x0, s20;
	[sflag:s22] =	ssyncset.done $0x0  }
0xa0: {  	[sflag:s22] =	ssyncadd.s32 s3;
	_ =	sdelay $0x1  }
0xa1: {  	s23 =	simm.s32 $0x1B8B  }
0xa2: {  	_ =	swait.ge [sflag:s23], $0x1  }
0xa3: {  	[sflag:s23] =	ssyncset.done $0x0  }
0xa4: {  	s25 =	simm.s32 $0x1B8E;
	s24 =	sld [smem:$0x3FFE];
	[sflag:s23] =	ssyncadd.s32 $0xFFFFFFFF  }
0xa5: {  	s26 =	simm.s32 $execute0_lowered;
	[smem:$0x3FD2] =	sst s25  }
0xa6: {  	s4 =	sshll.u32 s26, $0x1;
	_ =	strace $0x80000049;
	[dreg:$0x1] =	wrdreg $0xFFFFFFFF  }
0xa7: {  	s28 =	simm.s32 $_size_execute0_lowered;
	s2 =	sadd.s32 s2, s4;
	[dreg:$0x0] =	wrdreg $0x0  }
0xa8: {  	s4 =	sshll.u32 s28, $0x1;
	[dreg:$0x2] =	wrdreg s2  }
0xa9: {  	[dreg:$0x3] =	wrdreg s4  }
0xaa: {  	[dreg:$0x4] =	wrdreg $0xC0  }
0xab: {  	_ =	task [dreg:s6], $0x5FFFF  }
0xac: {  	[dreg:$0x1] =	wrdreg $0xFFFFFFFF  }
0xad: {  	[dreg:$0x0] =	wrdreg $0x60  }
0xae: {  	[dreg:$0x2] =	wrdreg s24  }
0xaf: {  	[dreg:$0x3] =	wrdreg $0xCB200  }
0xb0: {  	[dreg:$0x4] =	wrdreg $0x9  }
0xb1: {  	_ =	task.clear_ibuf [dreg:s6], $0x5FFFF;
	_ =	strace $0x90000049  }
0xb2: {  	s29 =	simm.s32 $0x9;
	_ =	strace $0x8000004B  }
0xb3: {  	_ =	swait.ge [sflag:s29], $0x1  }
0xb4: {  	[sflag:s29] =	ssyncadd.s32 $0xFFFFFFFF  }
0xb5: {  	_ =	strace $0x9000004B  }
0xb6: {  	_ =	sfence  }
0xb7: {  	s30 =	sld [smem:$0x0];
	_ =	sdelay $0x2  }
0xb8: {  	s31 =	sshll.u32 s1, $0xD;
	s1 =	sshrl.u32 s1, $0x2  }
0xb9: {  	s3 =	sand.u32 $0x4000, s31;
	s1 =	sadd.s32 s1, s30  }
0xba: {  	s0 =	sor.u32 s3, s0;
	s1 =	sshll.u32 s1, $0x11  }
0xbb: {  	s0 =	sor.u32 s1, s0  }
0xbc: {  	s0 =	sadd.s32 $0x8F2B, s0  }
0xbd: {  	[sflag:s0] =	ssyncadd.remote.s32 $0x1  }
0xbe: {  	_ =	sfence.sel $0xFFFF  }
0xbf: {  	[dreg:$0x0] =	wrdreg $0xFFFFFFFF;
	(pc) =	sbr.abs _section_cstart, $3  }
0xc0: {  	[dreg:$0x1] =	wrdreg $0xFFFFFFFF  }
0xc1: {  	_ =	task.clear_ibuf [dreg:s6], $0x2FFFF;
	_ =	strace $0x9FFFFFFF  }
0xc2: {  	(tm) =	ssettm $0x7FFFFFFF  }
0xc3: {  	_ =	shalt  }
tec
execute0_lowered:
.L_overlay_start_1:
0x0: {  	(tag) =	ssettag $0x1  }
0x1: {  	s0 =	srdreg.scid  }
0x2: {  	s20 =	stileid.u32;
	s1 =	sand.u32 $0x1, s0  }
0x3: {  	s6 =	smul.u32 $0x2800, s20;
	s2 =	sshll.u32 s1, $0x4  }
0x4: {  	s7 =	smul.u32 $0x28000, s1;
	s2 =	sor.u32 s20, s2  }
0x5: {  	s5 =	rddreg [dreg:$0x0];
	s3 =	simm.s32 $0x0;
	s4 =	smul.u32 $0x4E2, s2  }
0x6: {  	[smem:$0x7FF] =	sst s3;
	s21 =	sshrl.u32 s6, $0x3  }
0x7: {  	s2 =	rddreg [dreg:$0x1];
	s7 =	sadd.s32 s6, s7;
	s8 =	sadd.s32 s4, s5  }
0x8: {  	_ =	strace $0x8000004A;
	s7 =	sshrl.u32 s7, $0x3;
	s9 =	sadd.s32 $0x1200, s8  }
0x9: {  	s4 =	sadd.s32 $0x14E00, s5;
	s8 =	sadd.s32 $0xB000, s8;
	[dreg:$0x3] =	wrdreg s9  }
0xa: {  	s5 =	sadd.s32 s7, s5;
	s22 =	sadd.s32 s4, s21;
	[dreg:$0x4] =	wrdreg s8  }
0xb: {  	s5 =	sadd.s32 $0x19E00, s5;
	[dreg:$0x5] =	wrdreg s22  }
0xc: {  	[dreg:$0x6] =	wrdreg s5  }
0xd: {  	s24 =	sshll.u32 s20, $0x6;
	s6 =	sadd.s32 s6, s2;
	s23 =	rddreg [dreg:$0x3]  }
0xe: {  	s7 =	simm.s32 $0x2710;
	s5 =	sor.u32 $0x1C03, s24;
	s25 =	rddreg [dreg:$0x5]  }
0xf: {  	[tilespmem:s3], [sflag:$0x1] =	stream.linear.gather [hbm4b:s23+s3], $0x2710, $0x38;
	[tilespmem:$0xF320] =	vst v63  }
0x10: {  	s8 =	sshrl.u32 s6, $0x3;
	s6 =	simm.s32 $0x3;
	s10 =	rddreg [dreg:$0x4]  }
0x11: {  	[tilespmem:s7], [sflag:$0x2] =	stream.linear.gather [hbm4b:s10+s3], $0x2710, $0x38;
	[tilespmem:$0xF320] =	vst v63  }
0x12: {  	[spmem:s8], [sflag:s5] =	dma.local [hbm:s25], $0x500  }
0x13: {  	_ =	swait.ge [sflag:s6], $0x500  }
0x14: {  	[sflag:s6] =	ssyncset.done $0x0  }
0x15: {  	s9 =	simm.s32 $0x1;
	[sflag:s6] =	ssyncadd.s32 $0xFFFFFB00  }
0x16: {  	_ =	swait.ge [sflag:s9], $0x2710  }
0x17: {  	[sflag:s9] =	ssyncset.done $0x0  }
0x18: {  	s10 =	simm.s32 $0x2;
	[sflag:s9] =	ssyncadd.s32 $0xFFFFD8F0  }
0x19: {  	_ =	swait.ge [sflag:s10], $0x2710  }
0x1a: {  	[sflag:s10] =	ssyncset.done $0x0  }
0x1b: {  	[sflag:s10] =	ssyncadd.s32 $0xFFFFD8F0  }
0x1c: {  	s11 =	simm.s32 $0x3E8;
	s12 =	simm.s32 $0x4E20;
	[bflag:$0x0] =	sbarrier.arrive $0xFFFF  }
0x1d: {  	[tilespmem:s12], [sflag:$0x1] =	stream.indirect.gather [hbm4b:s4+s11], $0x10, s3, s11, $0xb8;
	[tilespmem:$0xF320] =	vst v63  }
0x1e: {  	s13 =	simm.s32 $0x8CA0  }
0x1f: {  	[tilespmem:s13], [sflag:$0x2] =	stream.indirect.gather [hbm4b:s4+s11], $0x10, s11, s11, $0xb8;
	[tilespmem:$0xF320] =	vst v63  }
0x20: {  	_ =	swait.ge [sflag:s9], $0x3E80  }
0x21: {  	[sflag:s9] =	ssyncset.done $0x0  }
0x22: {  	[sflag:s9] =	ssyncadd.s32 $0xFFFFC180  }
0x23: {  	[spmem:s2] =	stream.indirect.scatter.add.f32 [tilespmem:s12], [sflag:$0x3], $0x10, s7, s11, $0xb8;
	[tilespmem:$0xF320] =	vst v63  }
0x24: {  	_ =	swait.ge [sflag:s6], $0x3E80  }
0x25: {  	[sflag:s6] =	ssyncset.done $0x0  }
0x26: {  	s26 =	simm.s32 $0x7D0;
	[sflag:s6] =	ssyncadd.s32 $0xFFFFC180  }
0x27: {  	[tilespmem:s12], [sflag:$0x1] =	stream.indirect.gather [hbm4b:s4+s11], $0x10, s26, s11, $0xb8;
	[tilespmem:$0xF320] =	vst v63  }
0x28: {  	_ =	swait.ge [sflag:s10], $0x3E80  }
0x29: {  	[sflag:s10] =	ssyncset.done $0x0  }
0x2a: {  	s14 =	simm.s32 $0x2AF8;
	[sflag:s10] =	ssyncadd.s32 $0xFFFFC180  }
0x2b: {  	[spmem:s2] =	stream.indirect.scatter.add.f32 [tilespmem:s13], [sflag:$0x3], $0x10, s14, s11, $0xb8;
	[tilespmem:$0xF320] =	vst v63  }
0x2c: {  	_ =	swait.ge [sflag:s6], $0x3E80  }
0x2d: {  	[sflag:s6] =	ssyncset.done $0x0  }
0x2e: {  	s16 =	simm.s32 $0xBB8;
	[sflag:s6] =	ssyncadd.s32 $0xFFFFC180  }
0x2f: {  	[tilespmem:s13], [sflag:$0x2] =	stream.indirect.gather [hbm4b:s4+s11], $0x10, s16, s11, $0xb8;
	[tilespmem:$0xF320] =	vst v63  }
0x30: {  	_ =	swait.ge [sflag:s9], $0x3E80  }
0x31: {  	[sflag:s9] =	ssyncset.done $0x0  }
0x32: {  	s17 =	simm.s32 $0x2EE0;
	[sflag:s9] =	ssyncadd.s32 $0xFFFFC180  }
0x33: {  	[spmem:s2] =	stream.indirect.scatter.add.f32 [tilespmem:s12], [sflag:$0x3], $0x10, s17, s11, $0xb8;
	[tilespmem:$0xF320] =	vst v63  }
0x34: {  	_ =	swait.ge [sflag:s6], $0x3E80  }
0x35: {  	[sflag:s6] =	ssyncset.done $0x0  }
0x36: {  	s18 =	simm.s32 $0xFA0;
	[sflag:s6] =	ssyncadd.s32 $0xFFFFC180  }
0x37: {  	[tilespmem:s12], [sflag:$0x1] =	stream.indirect.gather [hbm4b:s4+s11], $0x10, s18, s11, $0xb8;
	[tilespmem:$0xF320] =	vst v63  }
0x38: {  	_ =	swait.ge [sflag:s10], $0x3E80  }
0x39: {  	[sflag:s10] =	ssyncset.done $0x0  }
0x3a: {  	s19 =	simm.s32 $0x32C8;
	[sflag:s10] =	ssyncadd.s32 $0xFFFFC180  }
0x3b: {  	[spmem:s2] =	stream.indirect.scatter.add.f32 [tilespmem:s13], [sflag:$0x3], $0x10, s19, s11, $0xb8;
	[tilespmem:$0xF320] =	vst v63  }
0x3c: {  	_ =	swait.ge [sflag:s6], $0x3E80  }
0x3d: {  	[sflag:s6] =	ssyncset.done $0x0  }
0x3e: {  	s20 =	simm.s32 $0x1388;
	[sflag:s6] =	ssyncadd.s32 $0xFFFFC180  }
0x3f: {  	[tilespmem:s13], [sflag:$0x2] =	stream.indirect.gather [hbm4b:s4+s11], $0x10, s20, s11, $0xb8;
	[tilespmem:$0xF320] =	vst v63  }
0x40: {  	_ =	swait.ge [sflag:s9], $0x3E80  }
0x41: {  	[sflag:s9] =	ssyncset.done $0x0  }
0x42: {  	s21 =	simm.s32 $0x36B0;
	[sflag:s9] =	ssyncadd.s32 $0xFFFFC180  }
0x43: {  	[spmem:s2] =	stream.indirect.scatter.add.f32 [tilespmem:s12], [sflag:$0x3], $0x10, s21, s11, $0xb8;
	[tilespmem:$0xF320] =	vst v63  }
0x44: {  	_ =	swait.ge [sflag:s6], $0x3E80  }
0x45: {  	[sflag:s6] =	ssyncset.done $0x0  }
0x46: {  	s22 =	simm.s32 $0x1770;
	[sflag:s6] =	ssyncadd.s32 $0xFFFFC180  }
0x47: {  	[tilespmem:s12], [sflag:$0x1] =	stream.indirect.gather [hbm4b:s4+s11], $0x10, s22, s11, $0xb8;
	[tilespmem:$0xF320] =	vst v63  }
0x48: {  	_ =	swait.ge [sflag:s10], $0x3E80  }
0x49: {  	[sflag:s10] =	ssyncset.done $0x0  }
0x4a: {  	s23 =	simm.s32 $0x3A98;
	[sflag:s10] =	ssyncadd.s32 $0xFFFFC180  }
0x4b: {  	[spmem:s2] =	stream.indirect.scatter.add.f32 [tilespmem:s13], [sflag:$0x3], $0x10, s23, s11, $0xb8;
	[tilespmem:$0xF320] =	vst v63  }
0x4c: {  	_ =	swait.ge [sflag:s6], $0x3E80  }
0x4d: {  	[sflag:s6] =	ssyncset.done $0x0  }
0x4e: {  	s24 =	simm.s32 $0x1B58;
	[sflag:s6] =	ssyncadd.s32 $0xFFFFC180  }
0x4f: {  	[tilespmem:s13], [sflag:$0x2] =	stream.indirect.gather [hbm4b:s4+s11], $0x10, s24, s11, $0xb8;
	[tilespmem:$0xF320] =	vst v63  }
0x50: {  	_ =	swait.ge [sflag:s9], $0x3E80  }
0x51: {  	[sflag:s9] =	ssyncset.done $0x0  }
0x52: {  	s25 =	simm.s32 $0x3E80;
	[sflag:s9] =	ssyncadd.s32 $0xFFFFC180  }
0x53: {  	[spmem:s2] =	stream.indirect.scatter.add.f32 [tilespmem:s12], [sflag:$0x3], $0x10, s25, s11, $0xb8;
	[tilespmem:$0xF320] =	vst v63  }
0x54: {  	_ =	swait.ge [sflag:s6], $0x3E80  }
0x55: {  	[sflag:s6] =	ssyncset.done $0x0  }
0x56: {  	s26 =	simm.s32 $0x1F40;
	[sflag:s6] =	ssyncadd.s32 $0xFFFFC180  }
0x57: {  	[tilespmem:s12], [sflag:$0x1] =	stream.indirect.gather [hbm4b:s4+s11], $0x10, s26, s11, $0xb8;
	[tilespmem:$0xF320] =	vst v63  }
0x58: {  	_ =	swait.ge [sflag:s10], $0x3E80  }
0x59: {  	[sflag:s10] =	ssyncset.done $0x0  }
0x5a: {  	s28 =	simm.s32 $0x4268;
	[sflag:s10] =	ssyncadd.s32 $0xFFFFC180  }
0x5b: {  	[spmem:s2] =	stream.indirect.scatter.add.f32 [tilespmem:s13], [sflag:$0x3], $0x10, s28, s11, $0xb8;
	[tilespmem:$0xF320] =	vst v63  }
0x5c: {  	_ =	swait.ge [sflag:s6], $0x3E80  }
0x5d: {  	[sflag:s6] =	ssyncset.done $0x0  }
0x5e: {  	s29 =	simm.s32 $0x2328;
	[sflag:s6] =	ssyncadd.s32 $0xFFFFC180  }
0x5f: {  	[tilespmem:s13], [sflag:$0x2] =	stream.indirect.gather [hbm4b:s4+s11], $0x10, s29, s11, $0xb8;
	[tilespmem:$0xF320] =	vst v63  }
0x60: {  	_ =	swait.ge [sflag:s9], $0x3E80  }
0x61: {  	[sflag:s9] =	ssyncset.done $0x0  }
0x62: {  	s30 =	simm.s32 $0x4650;
	[sflag:s9] =	ssyncadd.s32 $0xFFFFC180  }
0x63: {  	[spmem:s2] =	stream.indirect.scatter.add.f32 [tilespmem:s12], [sflag:$0x3], $0x10, s30, s11, $0xb8;
	[tilespmem:$0xF320] =	vst v63  }
0x64: {  	_ =	swait.ge [sflag:s6], $0x3E80  }
0x65: {  	[sflag:s6] =	ssyncset.done $0x0  }
0x66: {  	[sflag:s6] =	ssyncadd.s32 $0xFFFFC180  }
0x67: {  	s1 =	ssub.s32 $0x2, s1;
	_ =	swait.ge [sflag:s10], $0x3E80  }
0x68: {  	s15 =	sshrl.u32 s1, $0x1;
	[sflag:s10] =	ssyncset.done $0x0  }
0x69: {  	s31 =	simm.s32 $0x4A38;
	s0 =	ssub.s32 s1, s15;
	[sflag:s10] =	ssyncadd.s32 $0xFFFFC180  }
0x6a: {  	[spmem:s2] =	stream.indirect.scatter.add.f32 [tilespmem:s13], [sflag:$0x3], $0x10, s31, s11, $0xb8;
	[tilespmem:$0xF320] =	vst v63  }
0x6b: {  	s0 =	smax.u32 s0, $0x1;
	_ =	swait.ge [sflag:s6], $0x3E80  }
0x6c: {  	p0 =	sne.s32 s0, $0x1;
	[sflag:s6] =	ssyncset.done $0x0  }
.Ltmp0:
0x6d: {  	[sflag:s6] =	ssyncadd.s32 $0xFFFFC180;
	(pc) =	sbr.rel @!p0 .LBB2_2-.Ltmp0, $4  }
0x6e: {  	[bflag:$0x0] =	sbarrier.arrive $0xFFFF  }
0x6f: {  	s14 =	rddreg [dreg:$0x6]  }
0x70: {  	[hbm:s14], [sflag:s5] =	dma.local [spmem:s8], $0x500  }
0x71: {  	s1 =	sadd.s32 $0xFFFFFFFF, s0;
	_ =	swait.ge [sflag:s6], $0x500  }
.LBB2_1:
0x72: {  	s0 =	rddreg [dreg:$0x3];
	[sflag:s6] =	ssyncset.done $0x0  }
0x73: {  	s14 =	rddreg [dreg:$0x5];
	[sflag:s6] =	ssyncadd.s32 $0xFFFFFB00  }
0x74: {  	[tilespmem:s3], [sflag:$0x1] =	stream.linear.gather [hbm4b:s0+s3], $0x2710, $0x38;
	[tilespmem:$0xF320] =	vst v63  }
0x75: {  	s15 =	rddreg [dreg:$0x4]  }
0x76: {  	[tilespmem:s7], [sflag:$0x2] =	stream.linear.gather [hbm4b:s15+s3], $0x2710, $0x38;
	[tilespmem:$0xF320] =	vst v63  }
0x77: {  	[spmem:s8], [sflag:s5] =	dma.local [hbm:s14], $0x500  }
0x78: {  	_ =	swait.ge [sflag:s6], $0x500  }
0x79: {  	[sflag:s6] =	ssyncset.done $0x0  }
0x7a: {  	[sflag:s6] =	ssyncadd.s32 $0xFFFFFB00  }
0x7b: {  	_ =	swait.ge [sflag:s9], $0x2710  }
0x7c: {  	[sflag:s9] =	ssyncset.done $0x0  }
0x7d: {  	[sflag:s9] =	ssyncadd.s32 $0xFFFFD8F0  }
0x7e: {  	_ =	swait.ge [sflag:s10], $0x2710  }
0x7f: {  	[sflag:s10] =	ssyncset.done $0x0  }
0x80: {  	[sflag:s10] =	ssyncadd.s32 $0xFFFFD8F0  }
0x81: {  	[bflag:$0x0] =	sbarrier.arrive $0xFFFF  }
0x82: {  	[tilespmem:s12], [sflag:$0x1] =	stream.indirect.gather [hbm4b:s4+s11], $0x10, s3, s11, $0xb8;
	[tilespmem:$0xF320] =	vst v63  }
0x83: {  	_ = 	snop  }
0x84: {  	[tilespmem:s13], [sflag:$0x2] =	stream.indirect.gather [hbm4b:s4+s11], $0x10, s11, s11, $0xb8;
	[tilespmem:$0xF320] =	vst v63  }
0x85: {  	_ =	swait.ge [sflag:s9], $0x3E80  }
0x86: {  	[sflag:s9] =	ssyncset.done $0x0  }
0x87: {  	[sflag:s9] =	ssyncadd.s32 $0xFFFFC180  }
0x88: {  	[spmem:s2] =	stream.indirect.scatter.add.f32 [tilespmem:s12], [sflag:$0x3], $0x10, s7, s11, $0xb8;
	[tilespmem:$0xF320] =	vst v63  }
0x89: {  	_ =	swait.ge [sflag:s6], $0x3E80  }
0x8a: {  	[sflag:s6] =	ssyncset.done $0x0  }
0x8b: {  	s15 =	simm.s32 $0x7D0;
	[sflag:s6] =	ssyncadd.s32 $0xFFFFC180  }
0x8c: {  	[tilespmem:s12], [sflag:$0x1] =	stream.indirect.gather [hbm4b:s4+s11], $0x10, s15, s11, $0xb8;
	[tilespmem:$0xF320] =	vst v63  }
0x8d: {  	_ =	swait.ge [sflag:s10], $0x3E80  }
0x8e: {  	[sflag:s10] =	ssyncset.done $0x0  }
0x8f: {  	s14 =	simm.s32 $0x2AF8;
	[sflag:s10] =	ssyncadd.s32 $0xFFFFC180  }
0x90: {  	[spmem:s2] =	stream.indirect.scatter.add.f32 [tilespmem:s13], [sflag:$0x3], $0x10, s14, s11, $0xb8;
	[tilespmem:$0xF320] =	vst v63  }
0x91: {  	_ =	swait.ge [sflag:s6], $0x3E80  }
0x92: {  	[sflag:s6] =	ssyncset.done $0x0  }
0x93: {  	[sflag:s6] =	ssyncadd.s32 $0xFFFFC180  }
0x94: {  	[tilespmem:s13], [sflag:$0x2] =	stream.indirect.gather [hbm4b:s4+s11], $0x10, s16, s11, $0xb8;
	[tilespmem:$0xF320] =	vst v63  }
0x95: {  	_ =	swait.ge [sflag:s9], $0x3E80  }
0x96: {  	[sflag:s9] =	ssyncset.done $0x0  }
0x97: {  	[sflag:s9] =	ssyncadd.s32 $0xFFFFC180  }
0x98: {  	[spmem:s2] =	stream.indirect.scatter.add.f32 [tilespmem:s12], [sflag:$0x3], $0x10, s17, s11, $0xb8;
	[tilespmem:$0xF320] =	vst v63  }
0x99: {  	_ =	swait.ge [sflag:s6], $0x3E80  }
0x9a: {  	[sflag:s6] =	ssyncset.done $0x0  }
0x9b: {  	[sflag:s6] =	ssyncadd.s32 $0xFFFFC180  }
0x9c: {  	[tilespmem:s12], [sflag:$0x1] =	stream.indirect.gather [hbm4b:s4+s11], $0x10, s18, s11, $0xb8;
	[tilespmem:$0xF320] =	vst v63  }
0x9d: {  	_ =	swait.ge [sflag:s10], $0x3E80  }
0x9e: {  	[sflag:s10] =	ssyncset.done $0x0  }
0x9f: {  	[sflag:s10] =	ssyncadd.s32 $0xFFFFC180  }
0xa0: {  	[spmem:s2] =	stream.indirect.scatter.add.f32 [tilespmem:s13], [sflag:$0x3], $0x10, s19, s11, $0xb8;
	[tilespmem:$0xF320] =	vst v63  }
0xa1: {  	_ =	swait.ge [sflag:s6], $0x3E80  }
0xa2: {  	[sflag:s6] =	ssyncset.done $0x0  }
0xa3: {  	[sflag:s6] =	ssyncadd.s32 $0xFFFFC180  }
0xa4: {  	[tilespmem:s13], [sflag:$0x2] =	stream.indirect.gather [hbm4b:s4+s11], $0x10, s20, s11, $0xb8;
	[tilespmem:$0xF320] =	vst v63  }
0xa5: {  	_ =	swait.ge [sflag:s9], $0x3E80  }
0xa6: {  	[sflag:s9] =	ssyncset.done $0x0  }
0xa7: {  	[sflag:s9] =	ssyncadd.s32 $0xFFFFC180  }
0xa8: {  	[spmem:s2] =	stream.indirect.scatter.add.f32 [tilespmem:s12], [sflag:$0x3], $0x10, s21, s11, $0xb8;
	[tilespmem:$0xF320] =	vst v63  }
0xa9: {  	_ =	swait.ge [sflag:s6], $0x3E80  }
0xaa: {  	[sflag:s6] =	ssyncset.done $0x0  }
0xab: {  	[sflag:s6] =	ssyncadd.s32 $0xFFFFC180  }
0xac: {  	[tilespmem:s12], [sflag:$0x1] =	stream.indirect.gather [hbm4b:s4+s11], $0x10, s22, s11, $0xb8;
	[tilespmem:$0xF320] =	vst v63  }
0xad: {  	_ =	swait.ge [sflag:s10], $0x3E80  }
0xae: {  	[sflag:s10] =	ssyncset.done $0x0  }
0xaf: {  	[sflag:s10] =	ssyncadd.s32 $0xFFFFC180  }
0xb0: {  	[spmem:s2] =	stream.indirect.scatter.add.f32 [tilespmem:s13], [sflag:$0x3], $0x10, s23, s11, $0xb8;
	[tilespmem:$0xF320] =	vst v63  }
0xb1: {  	_ =	swait.ge [sflag:s6], $0x3E80  }
0xb2: {  	[sflag:s6] =	ssyncset.done $0x0  }
0xb3: {  	[sflag:s6] =	ssyncadd.s32 $0xFFFFC180  }
0xb4: {  	[tilespmem:s13], [sflag:$0x2] =	stream.indirect.gather [hbm4b:s4+s11], $0x10, s24, s11, $0xb8;
	[tilespmem:$0xF320] =	vst v63  }
0xb5: {  	_ =	swait.ge [sflag:s9], $0x3E80  }
0xb6: {  	[sflag:s9] =	ssyncset.done $0x0  }
0xb7: {  	[sflag:s9] =	ssyncadd.s32 $0xFFFFC180  }
0xb8: {  	[spmem:s2] =	stream.indirect.scatter.add.f32 [tilespmem:s12], [sflag:$0x3], $0x10, s25, s11, $0xb8;
	[tilespmem:$0xF320] =	vst v63  }
0xb9: {  	_ =	swait.ge [sflag:s6], $0x3E80  }
0xba: {  	[sflag:s6] =	ssyncset.done $0x0  }
0xbb: {  	[sflag:s6] =	ssyncadd.s32 $0xFFFFC180  }
0xbc: {  	[tilespmem:s12], [sflag:$0x1] =	stream.indirect.gather [hbm4b:s4+s11], $0x10, s26, s11, $0xb8;
	[tilespmem:$0xF320] =	vst v63  }
0xbd: {  	_ =	swait.ge [sflag:s10], $0x3E80  }
0xbe: {  	[sflag:s10] =	ssyncset.done $0x0  }
0xbf: {  	[sflag:s10] =	ssyncadd.s32 $0xFFFFC180  }
0xc0: {  	[spmem:s2] =	stream.indirect.scatter.add.f32 [tilespmem:s13], [sflag:$0x3], $0x10, s28, s11, $0xb8;
	[tilespmem:$0xF320] =	vst v63  }
0xc1: {  	_ =	swait.ge [sflag:s6], $0x3E80  }
0xc2: {  	[sflag:s6] =	ssyncset.done $0x0  }
0xc3: {  	[sflag:s6] =	ssyncadd.s32 $0xFFFFC180  }
0xc4: {  	[tilespmem:s13], [sflag:$0x2] =	stream.indirect.gather [hbm4b:s4+s11], $0x10, s29, s11, $0xb8;
	[tilespmem:$0xF320] =	vst v63  }
0xc5: {  	_ =	swait.ge [sflag:s9], $0x3E80  }
0xc6: {  	[sflag:s9] =	ssyncset.done $0x0  }
0xc7: {  	[sflag:s9] =	ssyncadd.s32 $0xFFFFC180  }
0xc8: {  	[spmem:s2] =	stream.indirect.scatter.add.f32 [tilespmem:s12], [sflag:$0x3], $0x10, s30, s11, $0xb8;
	[tilespmem:$0xF320] =	vst v63  }
0xc9: {  	_ =	swait.ge [sflag:s6], $0x3E80  }
0xca: {  	[sflag:s6] =	ssyncset.done $0x0  }
0xcb: {  	[sflag:s6] =	ssyncadd.s32 $0xFFFFC180  }
0xcc: {  	_ =	swait.ge [sflag:s10], $0x3E80  }
0xcd: {  	[sflag:s10] =	ssyncset.done $0x0  }
0xce: {  	[sflag:s10] =	ssyncadd.s32 $0xFFFFC180  }
0xcf: {  	[spmem:s2] =	stream.indirect.scatter.add.f32 [tilespmem:s13], [sflag:$0x3], $0x10, s31, s11, $0xb8;
	[tilespmem:$0xF320] =	vst v63  }
0xd0: {  	_ =	swait.ge [sflag:s6], $0x3E80  }
0xd1: {  	p0 =	sne.s32 s1, $0x1;
	[sflag:s6] =	ssyncset.done $0x0  }
.Ltmp1:
0xd2: {  	[sflag:s6] =	ssyncadd.s32 $0xFFFFC180;
	(pc) =	sbr.rel @p0 .LBB2_1-.Ltmp1, $4  }
0xd3: {  	[bflag:$0x0] =	sbarrier.arrive $0xFFFF  }
0xd4: {  	s15 =	rddreg [dreg:$0x6]  }
0xd5: {  	[hbm:s15], [sflag:s5] =	dma.local [spmem:s8], $0x500  }
0xd6: {  	s1 =	sadd.s32 $0xFFFFFFFF, s1;
	_ =	swait.ge [sflag:s6], $0x500  }
.LBB2_2:
0xd7: {  	[sflag:s6] =	ssyncset.done $0x0  }
0xd8: {  	[sflag:s6] =	ssyncadd.s32 $0xFFFFFB00  }
0xd9: {  	_ =	sfence.sel $0x180000  }
0xda: {  	[bflag:$0x0] =	sbarrier.arrive $0xFFFF  }
0xdb: {  	_ =	strace $0x9000004A  }
0xdc: {  	s0 =	stileid.u32;
	[bflag:$0x2] =	sbarrier.arrive $0xFFFF  }
0xdd: {  	p0 =	sne.s32 s0, $0x0;
	s0 =	rddreg [dreg:$0x2]  }
0xde: {  	s0 =	sadd.s32 @!p0 $0x100000, s0  }
0xdf: {  	[sflag:s0] =	ssyncadd.tile.s32 @!p0 $0x1;
	_ =	shalt  }
.Lfunc_end2:
_tile_overlayer_lowered:
.L_overlay_start_2:
0xe0: {  	(tag) =	ssettag $0x2  }
0xe1: {  	s0 =	rddreg [dreg:$0x0];
	s2 =	stileid.u32  }
0xe2: {  	s1 =	rddreg [dreg:$0x1];
	p0 =	sne.s32 s2, $0x0  }
0xe3: {  	s3 =	rddreg [dreg:$0x2];
	[bflag:$0x3] =	sbarrier.arrive $0xFFFF;
	s2 =	simm.s32 @!p0 $0x1C03  }
0xe4: {  	[timem:s3], [sflag:s2] =	dma.local @!p0 [hbm:s0], s1  }
0xe5: {  	s0 =	simm.s32 @!p0 $0x3  }
0xe6: {  	_ =	swait.ge @!p0 [sflag:s0], s1  }
0xe7: {  	s1 =	ssub.s32 @!p0 $0x0, s1;
	[sflag:s0] =	ssyncset.done @!p0 $0x0  }
0xe8: {  	[sflag:s0] =	ssyncadd.s32 @!p0 s1  }
0xe9: {  	[bflag:$0x3] =	sbarrier.arrive $0xFFFF  }
0xea: {  	_ =	shalt  }

// kernel: kernel.14.cloned.1.call-start
scs
__scs_entry_jumppad:
0x0: {  	(pc) =	sbr.rel $0x88, $3  }
0x1: {  	(tag) =	ssettag $0x0;
	lr =	simm.s32 $0x1  }
0x2: {  	[smem:$0x3F99] =	sst lr;
	_ =	strace $0xD0000000  }
0x3: {  	_ = 	snop  }
0x4: {  	_ = 	snop  }
0x5: {  	_ = 	snop  }
0x6: {  	_ = 	snop  }
0x7: {  	_ = 	snop  }
__scs_overlays_trampoline_lowered:
0x8: {  	[smem:$0x3FA8] =	sst s0  }
0x9: {  	[smem:$0x3FA9] =	sst s1  }
0xa: {  	[smem:$0x3FAA] =	sst s2  }
0xb: {  	[smem:$0x3FAB] =	sst s3  }
0xc: {  	[smem:$0x3FAC] =	sst s4  }
0xd: {  	[smem:$0x3FAD] =	sst s5  }
0xe: {  	[smem:$0x3FAE] =	sst s6  }
0xf: {  	[smem:$0x3FAF] =	sst s7  }
0x10: {  	[smem:$0x3FB0] =	sst s8  }
0x11: {  	[smem:$0x3FB1] =	sst s9;
	s0 =	simm.s32 @!p0 $0x0  }
0x12: {  	s1 =	sld [smem:$0x3F97];
	s0 =	simm.s32 @p0 $0x1  }
0x13: {  	[smem:$0x3FB2] =	sst s0;
	s0 =	simm.s32 @!p1 $0x0  }
0x14: {  	s2 =	sld [smem:$0x3F96];
	s0 =	simm.s32 @p1 $0x1  }
0x15: {  	[smem:$0x3FB3] =	sst s0;
	s0 =	simm.s32 @!p2 $0x0  }
0x16: {  	s3 =	sld [smem:$0x3FDB];
	s0 =	simm.s32 @p2 $0x1  }
0x17: {  	s4 =	simm.s32 $0x1BF5;
	[smem:$0x3FB5] =	sst s0  }
0x18: {  	s0 =	sld [smem:$0x3F98];
	_ =	swait.ge [sflag:s4], $0x0  }
0x19: {  	s7 =	sld [smem:$0x3F99]  }
0x1a: {  	s8 =	sadd.s32 $0xFFFFE003, lr  }
0x1b: {  	s9 =	sadd.s32 $0xFFFFFEF7, lr;
	s5 =	simm.s32 $0xFFFFFFFF;
	p2 =	slt.u32 s8, $0xFFFFF086  }
0x1c: {  	p1 =	slt.u32 s9, $0xF7A;
	s5 =	simm.s32 @!p2 $0x0  }
0x1d: {  	s5 =	simm.s32 @p1 $0x1;
	p0 =	seq.s32 s7, s2  }
0x1e: {  	s7 =	smul.u32 @!p0 $0xF7A, s2;
	p2 =	seq.s32 @!p0 s5, $0x0  }
0x1f: {  	s9 =	smul.u32 $0xF7A, s1;
	s8 =	simm.s32 @!p0 $0x1BF5;
	p2 =	por !p2, p0  }
0x20: {  	[sflag:s8] =	ssyncset.s32 @!p0 $0xFFFFF086;
	s6 =	sadd.s32 @!p0 s3, s7;
	s7 =	simm.s32 @!p0 $0x108  }
0x21: {  	s3 =	sadd.s32 s3, s9;
	s6 =	sadd.s32 @!p0 $0x88, s6;
	s7 =	simm.s32 @p2 $0x1082  }
0x22: {  	[simem:s7], [sflag:s8] =	dma.local @!p0 [hbm:s6], $0xF7A  }
0x23: {  	s9 =	sor.u32 $0xD0000000, s2;
	s6 =	simm.s32 $0x108;
	_ =	swait.ge @!p0 [sflag:s8], $0x0  }
0x24: {  	s3 =	sadd.s32 $0x88, s3;
	s6 =	simm.s32 @!p1 $0x1082;
	[sflag:s4] =	ssyncset.s32 $0xFFFFF086  }
0x25: {  	[simem:s6], [sflag:s4] =	dma.local [hbm:s3], $0xF7A  }
0x26: {  	[smem:$0x3F99] =	sst s1;
	(tag) =	ssettag s2;
	_ =	strace s9  }
0x27: {  	s1 =	sld [smem:$0x3FA9]  }
0x28: {  	s2 =	sld [smem:$0x3FAA]  }
0x29: {  	s4 =	sld [smem:$0x3FAC]  }
0x2a: {  	p0 =	seq.s32 s5, $0x0;
	s5 =	sld [smem:$0x3FAD]  }
0x2b: {  	s6 =	sld [smem:$0x3FAE]  }
0x2c: {  	s7 =	sld [smem:$0x3FAF]  }
0x2d: {  	s3 =	simm.s32 $0x108;
	s8 =	sld [smem:$0x3FB0]  }
0x2e: {  	s3 =	simm.s32 @!p0 $0x1082;
	s9 =	sld [smem:$0x3FB1]  }
0x2f: {  	lr =	sadd.s32 s0, s3;
	s0 =	sld [smem:$0x3FA8]  }
0x30: {  	s3 =	sld [smem:$0x3FAB]  }
0x31: {  	[smem:$0x3FB4] =	sst s10  }
0x32: {  	s10 =	sld [smem:$0x3FB2];
	_ =	sdelay $0x3  }
0x33: {  	p0 =	seq.s32 s10, $0x1;
	s10 =	sld [smem:$0x3FB4];
	_ =	sdelay $0x3  }
0x34: {  	[smem:$0x3FB4] =	sst s10  }
0x35: {  	s10 =	sld [smem:$0x3FB3];
	_ =	sdelay $0x3  }
0x36: {  	p1 =	seq.s32 s10, $0x1;
	s10 =	sld [smem:$0x3FB4];
	_ =	sdelay $0x3  }
0x37: {  	[smem:$0x3FB4] =	sst s10  }
0x38: {  	s10 =	sld [smem:$0x3FB5]  }
0x39: {  	_ = 	snop;
	(pc) =	sbr.ind lr, $3  }
0x3a: {  	_ = 	snop  }
0x3b: {  	_ = 	snop  }
0x3c: {  	p2 =	seq.s32 s10, $0x1;
	s10 =	sld [smem:$0x3FB4]  }
0x3d: {  	_ =	shalt  }
0x3e: {  	_ =	shalt  }
0x3f: {  	_ =	shalt  }
0x40: {  	_ =	shalt  }
0x41: {  	_ =	shalt  }
0x42: {  	_ =	shalt  }
0x43: {  	_ =	shalt  }
0x44: {  	_ =	shalt  }
0x45: {  	_ =	shalt  }
0x46: {  	_ =	shalt  }
0x47: {  	_ =	shalt  }
0x48: {  	_ =	shalt  }
0x49: {  	_ =	shalt  }
0x4a: {  	_ =	shalt  }
0x4b: {  	_ =	shalt  }
0x4c: {  	_ =	shalt  }
0x4d: {  	_ =	shalt  }
0x4e: {  	_ =	shalt  }
0x4f: {  	_ =	shalt  }
0x50: {  	_ =	shalt  }
0x51: {  	_ =	shalt  }
0x52: {  	_ =	shalt  }
0x53: {  	_ =	shalt  }
0x54: {  	_ =	shalt  }
0x55: {  	_ =	shalt  }
0x56: {  	_ =	shalt  }
0x57: {  	_ =	shalt  }
0x58: {  	_ =	shalt  }
0x59: {  	_ =	shalt  }
0x5a: {  	_ =	shalt  }
0x5b: {  	_ =	shalt  }
0x5c: {  	_ =	shalt  }
0x5d: {  	_ =	shalt  }
0x5e: {  	_ =	shalt  }
0x5f: {  	_ =	shalt  }
0x60: {  	_ =	shalt  }
0x61: {  	_ =	shalt  }
0x62: {  	_ =	shalt  }
0x63: {  	_ =	shalt  }
0x64: {  	_ =	shalt  }
0x65: {  	_ =	shalt  }
0x66: {  	_ =	shalt  }
0x67: {  	_ =	shalt  }
0x68: {  	_ =	shalt  }
0x69: {  	_ =	shalt  }
0x6a: {  	_ =	shalt  }
0x6b: {  	_ =	shalt  }
0x6c: {  	_ =	shalt  }
0x6d: {  	_ =	shalt  }
0x6e: {  	_ =	shalt  }
0x6f: {  	_ =	shalt  }
0x70: {  	_ =	shalt  }
0x71: {  	_ =	shalt  }
0x72: {  	_ =	shalt  }
0x73: {  	_ =	shalt  }
0x74: {  	_ =	shalt  }
0x75: {  	_ =	shalt  }
0x76: {  	_ =	shalt  }
0x77: {  	_ =	shalt  }
0x78: {  	_ =	shalt  }
0x79: {  	_ =	shalt  }
0x7a: {  	_ =	shalt  }
0x7b: {  	_ =	shalt  }
0x7c: {  	_ =	shalt  }
0x7d: {  	_ =	shalt  }
0x7e: {  	_ =	shalt  }
0x7f: {  	_ =	shalt  }
0x80: {  	_ =	shalt  }
0x81: {  	_ =	shalt  }
0x82: {  	_ =	shalt  }
0x83: {  	_ =	shalt  }
0x84: {  	_ =	shalt  }
0x85: {  	_ =	shalt  }
0x86: {  	_ =	shalt  }
0x87: {  	_ =	shalt  }
.Lfunc_end0:
.L_simem_size_0:
called_computation.2_lowered:
.L_overlay_start_0:
0x88: {  	s2 =	sld [smem:$0x3FD9]  }
0x89: {  	s3 =	sld [smem:$0x3FFE];
	_ =	sdelay $0x1  }
0x8a: {  	s1 =	srdreg.scid  }
0x8b: {  	s0 =	sand.u32 $0x1, s1  }
0x8c: {  	s16 =	sshll.u32 s0, $0xA;
	s2 =	sadd.s32 s3, s2  }
0x8d: {  	s2 =	sadd.s32 s2, s16  }
0x8e: {  	[smem:$0x3FC0] =	sst s2  }
0x8f: {  	_ = 	snop  }
0x90: {  	(tm) =	ssettm $0x1  }
0x91: {  	s17 =	sld [smem:$0x3FFB];
	_ =	sdelay $0x3  }
0x92: {  	_ =	strace s17  }
0x93: {  	s2 =	sld [smem:$0x3FFC];
	_ =	sdelay $0x3  }
0x94: {  	_ =	strace s2  }
0x95: {  	s2 =	sld [smem:$0x3FFD];
	_ =	sdelay $0x3  }
0x96: {  	_ =	strace s2  }
0x97: {  	_ =	strace $0x8FFFFFFF  }
0x98: {  	s18 =	sld [smem:$0x3FDB];
	_ =	sdelay $0x1  }
0x99: {  	s19 =	simm.s32 $_scs_section_size  }
0x9a: {  	s4 =	simm.s32 $_size__tile_overlayer_lowered;
	s5 =	simm.s32 $_tile_overlayer_lowered  }
0x9b: {  	s22 =	simm.s32 $0x1BFF;
	s21 =	sshll.u32 s5, $0x1;
	s2 =	sadd.s32 s19, s18  }
0x9c: {  	s6 =	simm.s32 $0x0;
	s20 =	sshll.u32 s4, $0x1;
	s4 =	sadd.s32 s21, s2  }
0x9d: {  	[timem:s6], [sflag:s22] =	dma.local [hbm:s4], s20  }
0x9e: {  	_ =	swait.ge [sflag:s22], s20  }
0x9f: {  	s3 =	ssub.s32 $0x0, s20;
	[sflag:s22] =	ssyncset.done $0x0  }
0xa0: {  	[sflag:s22] =	ssyncadd.s32 s3;
	_ =	sdelay $0x1  }
0xa1: {  	s23 =	simm.s32 $0x1B8B  }
0xa2: {  	_ =	swait.ge [sflag:s23], $0x1  }
0xa3: {  	[sflag:s23] =	ssyncset.done $0x0  }
0xa4: {  	s25 =	simm.s32 $0x1B8E;
	s24 =	sld [smem:$0x3FFE];
	[sflag:s23] =	ssyncadd.s32 $0xFFFFFFFF  }
0xa5: {  	s26 =	simm.s32 $execute0_lowered;
	[smem:$0x3FD2] =	sst s25  }
0xa6: {  	s4 =	sshll.u32 s26, $0x1;
	_ =	strace $0x8000004C;
	[dreg:$0x1] =	wrdreg $0xFFFFFFFF  }
0xa7: {  	s28 =	simm.s32 $_size_execute0_lowered;
	s2 =	sadd.s32 s2, s4;
	[dreg:$0x0] =	wrdreg $0x0  }
0xa8: {  	s4 =	sshll.u32 s28, $0x1;
	[dreg:$0x2] =	wrdreg s2  }
0xa9: {  	[dreg:$0x3] =	wrdreg s4  }
0xaa: {  	[dreg:$0x4] =	wrdreg $0xC0  }
0xab: {  	_ =	task [dreg:s6], $0x5FFFF  }
0xac: {  	[dreg:$0x1] =	wrdreg $0xFFFFFFFF  }
0xad: {  	[dreg:$0x0] =	wrdreg $0x60  }
0xae: {  	[dreg:$0x2] =	wrdreg s24  }
0xaf: {  	[dreg:$0x3] =	wrdreg $0xCB200  }
0xb0: {  	[dreg:$0x4] =	wrdreg $0x9  }
0xb1: {  	_ =	task.clear_ibuf [dreg:s6], $0x5FFFF;
	_ =	strace $0x9000004C  }
0xb2: {  	s29 =	simm.s32 $0x9;
	_ =	strace $0x8000004E  }
0xb3: {  	_ =	swait.ge [sflag:s29], $0x1  }
0xb4: {  	[sflag:s29] =	ssyncadd.s32 $0xFFFFFFFF  }
0xb5: {  	_ =	strace $0x9000004E  }
0xb6: {  	_ =	sfence  }
0xb7: {  	s30 =	sld [smem:$0x0];
	_ =	sdelay $0x2  }
0xb8: {  	s31 =	sshll.u32 s1, $0xD;
	s1 =	sshrl.u32 s1, $0x2  }
0xb9: {  	s3 =	sand.u32 $0x4000, s31;
	s1 =	sadd.s32 s1, s30  }
0xba: {  	s0 =	sor.u32 s3, s0;
	s1 =	sshll.u32 s1, $0x11  }
0xbb: {  	s0 =	sor.u32 s1, s0  }
0xbc: {  	s0 =	sadd.s32 $0x8F2B, s0  }
0xbd: {  	[sflag:s0] =	ssyncadd.remote.s32 $0x1  }
0xbe: {  	_ =	sfence.sel $0xFFFF  }
0xbf: {  	[dreg:$0x0] =	wrdreg $0xFFFFFFFF;
	(pc) =	sbr.abs _section_cstart, $3  }
0xc0: {  	[dreg:$0x1] =	wrdreg $0xFFFFFFFF  }
0xc1: {  	_ =	task.clear_ibuf [dreg:s6], $0x2FFFF;
	_ =	strace $0x9FFFFFFF  }
0xc2: {  	(tm) =	ssettm $0x7FFFFFFF  }
0xc3: {  	_ =	shalt  }
tec
execute0_lowered:
.L_overlay_start_1:
0x0: {  	(tag) =	ssettag $0x1  }
0x1: {  	s0 =	srdreg.scid  }
0x2: {  	s20 =	stileid.u32;
	s1 =	sand.u32 $0x1, s0  }
0x3: {  	s6 =	smul.u32 $0x2800, s20;
	s2 =	sshll.u32 s1, $0x4  }
0x4: {  	s7 =	smul.u32 $0x28000, s1;
	s2 =	sor.u32 s20, s2  }
0x5: {  	s5 =	rddreg [dreg:$0x0];
	s3 =	simm.s32 $0x0;
	s4 =	smul.u32 $0x4E2, s2  }
0x6: {  	[smem:$0x7FF] =	sst s3;
	s21 =	sshrl.u32 s6, $0x3  }
0x7: {  	s2 =	rddreg [dreg:$0x1];
	s7 =	sadd.s32 s6, s7;
	s8 =	sadd.s32 s4, s5  }
0x8: {  	_ =	strace $0x8000004D;
	s7 =	sshrl.u32 s7, $0x3;
	s9 =	sadd.s32 $0x1200, s8  }
0x9: {  	s4 =	sadd.s32 $0x14E00, s5;
	s8 =	sadd.s32 $0xB000, s8;
	[dreg:$0x3] =	wrdreg s9  }
0xa: {  	s5 =	sadd.s32 s7, s5;
	s22 =	sadd.s32 s4, s21;
	[dreg:$0x4] =	wrdreg s8  }
0xb: {  	s5 =	sadd.s32 $0x19E00, s5;
	[dreg:$0x5] =	wrdreg s22  }
0xc: {  	[dreg:$0x6] =	wrdreg s5  }
0xd: {  	s24 =	sshll.u32 s20, $0x6;
	s6 =	sadd.s32 s6, s2;
	s23 =	rddreg [dreg:$0x3]  }
0xe: {  	s7 =	simm.s32 $0x2710;
	s5 =	sor.u32 $0x1C03, s24;
	s25 =	rddreg [dreg:$0x5]  }
0xf: {  	[tilespmem:s3], [sflag:$0x1] =	stream.linear.gather [hbm4b:s23+s3], $0x2710, $0x38;
	[tilespmem:$0xF320] =	vst v63  }
0x10: {  	s8 =	sshrl.u32 s6, $0x3;
	s6 =	simm.s32 $0x3;
	s10 =	rddreg [dreg:$0x4]  }
0x11: {  	[tilespmem:s7], [sflag:$0x2] =	stream.linear.gather [hbm4b:s10+s3], $0x2710, $0x38;
	[tilespmem:$0xF320] =	vst v63  }
0x12: {  	[spmem:s8], [sflag:s5] =	dma.local [hbm:s25], $0x500  }
0x13: {  	_ =	swait.ge [sflag:s6], $0x500  }
0x14: {  	[sflag:s6] =	ssyncset.done $0x0  }
0x15: {  	s9 =	simm.s32 $0x1;
	[sflag:s6] =	ssyncadd.s32 $0xFFFFFB00  }
0x16: {  	_ =	swait.ge [sflag:s9], $0x2710  }
0x17: {  	[sflag:s9] =	ssyncset.done $0x0  }
0x18: {  	s10 =	simm.s32 $0x2;
	[sflag:s9] =	ssyncadd.s32 $0xFFFFD8F0  }
0x19: {  	_ =	swait.ge [sflag:s10], $0x2710  }
0x1a: {  	[sflag:s10] =	ssyncset.done $0x0  }
0x1b: {  	[sflag:s10] =	ssyncadd.s32 $0xFFFFD8F0  }
0x1c: {  	s11 =	simm.s32 $0x3E8;
	s12 =	simm.s32 $0x4E20;
	[bflag:$0x0] =	sbarrier.arrive $0xFFFF  }
0x1d: {  	[tilespmem:s12], [sflag:$0x1] =	stream.indirect.gather [hbm4b:s4+s11], $0x10, s3, s11, $0xb8;
	[tilespmem:$0xF320] =	vst v63  }
0x1e: {  	s13 =	simm.s32 $0x8CA0  }
0x1f: {  	[tilespmem:s13], [sflag:$0x2] =	stream.indirect.gather [hbm4b:s4+s11], $0x10, s11, s11, $0xb8;
	[tilespmem:$0xF320] =	vst v63  }
0x20: {  	_ =	swait.ge [sflag:s9], $0x3E80  }
0x21: {  	[sflag:s9] =	ssyncset.done $0x0  }
0x22: {  	[sflag:s9] =	ssyncadd.s32 $0xFFFFC180  }
0x23: {  	[spmem:s2] =	stream.indirect.scatter.add.f32 [tilespmem:s12], [sflag:$0x3], $0x10, s7, s11, $0xb8;
	[tilespmem:$0xF320] =	vst v63  }
0x24: {  	_ =	swait.ge [sflag:s6], $0x3E80  }
0x25: {  	[sflag:s6] =	ssyncset.done $0x0  }
0x26: {  	s26 =	simm.s32 $0x7D0;
	[sflag:s6] =	ssyncadd.s32 $0xFFFFC180  }
0x27: {  	[tilespmem:s12], [sflag:$0x1] =	stream.indirect.gather [hbm4b:s4+s11], $0x10, s26, s11, $0xb8;
	[tilespmem:$0xF320] =	vst v63  }
0x28: {  	_ =	swait.ge [sflag:s10], $0x3E80  }
0x29: {  	[sflag:s10] =	ssyncset.done $0x0  }
0x2a: {  	s14 =	simm.s32 $0x2AF8;
	[sflag:s10] =	ssyncadd.s32 $0xFFFFC180  }
0x2b: {  	[spmem:s2] =	stream.indirect.scatter.add.f32 [tilespmem:s13], [sflag:$0x3], $0x10, s14, s11, $0xb8;
	[tilespmem:$0xF320] =	vst v63  }
0x2c: {  	_ =	swait.ge [sflag:s6], $0x3E80  }
0x2d: {  	[sflag:s6] =	ssyncset.done $0x0  }
0x2e: {  	s16 =	simm.s32 $0xBB8;
	[sflag:s6] =	ssyncadd.s32 $0xFFFFC180  }
0x2f: {  	[tilespmem:s13], [sflag:$0x2] =	stream.indirect.gather [hbm4b:s4+s11], $0x10, s16, s11, $0xb8;
	[tilespmem:$0xF320] =	vst v63  }
0x30: {  	_ =	swait.ge [sflag:s9], $0x3E80  }
0x31: {  	[sflag:s9] =	ssyncset.done $0x0  }
0x32: {  	s17 =	simm.s32 $0x2EE0;
	[sflag:s9] =	ssyncadd.s32 $0xFFFFC180  }
0x33: {  	[spmem:s2] =	stream.indirect.scatter.add.f32 [tilespmem:s12], [sflag:$0x3], $0x10, s17, s11, $0xb8;
	[tilespmem:$0xF320] =	vst v63  }
0x34: {  	_ =	swait.ge [sflag:s6], $0x3E80  }
0x35: {  	[sflag:s6] =	ssyncset.done $0x0  }
0x36: {  	s18 =	simm.s32 $0xFA0;
	[sflag:s6] =	ssyncadd.s32 $0xFFFFC180  }
0x37: {  	[tilespmem:s12], [sflag:$0x1] =	stream.indirect.gather [hbm4b:s4+s11], $0x10, s18, s11, $0xb8;
	[tilespmem:$0xF320] =	vst v63  }
0x38: {  	_ =	swait.ge [sflag:s10], $0x3E80  }
0x39: {  	[sflag:s10] =	ssyncset.done $0x0  }
0x3a: {  	s19 =	simm.s32 $0x32C8;
	[sflag:s10] =	ssyncadd.s32 $0xFFFFC180  }
0x3b: {  	[spmem:s2] =	stream.indirect.scatter.add.f32 [tilespmem:s13], [sflag:$0x3], $0x10, s19, s11, $0xb8;
	[tilespmem:$0xF320] =	vst v63  }
0x3c: {  	_ =	swait.ge [sflag:s6], $0x3E80  }
0x3d: {  	[sflag:s6] =	ssyncset.done $0x0  }
0x3e: {  	s20 =	simm.s32 $0x1388;
	[sflag:s6] =	ssyncadd.s32 $0xFFFFC180  }
0x3f: {  	[tilespmem:s13], [sflag:$0x2] =	stream.indirect.gather [hbm4b:s4+s11], $0x10, s20, s11, $0xb8;
	[tilespmem:$0xF320] =	vst v63  }
0x40: {  	_ =	swait.ge [sflag:s9], $0x3E80  }
0x41: {  	[sflag:s9] =	ssyncset.done $0x0  }
0x42: {  	s21 =	simm.s32 $0x36B0;
	[sflag:s9] =	ssyncadd.s32 $0xFFFFC180  }
0x43: {  	[spmem:s2] =	stream.indirect.scatter.add.f32 [tilespmem:s12], [sflag:$0x3], $0x10, s21, s11, $0xb8;
	[tilespmem:$0xF320] =	vst v63  }
0x44: {  	_ =	swait.ge [sflag:s6], $0x3E80  }
0x45: {  	[sflag:s6] =	ssyncset.done $0x0  }
0x46: {  	s22 =	simm.s32 $0x1770;
	[sflag:s6] =	ssyncadd.s32 $0xFFFFC180  }
0x47: {  	[tilespmem:s12], [sflag:$0x1] =	stream.indirect.gather [hbm4b:s4+s11], $0x10, s22, s11, $0xb8;
	[tilespmem:$0xF320] =	vst v63  }
0x48: {  	_ =	swait.ge [sflag:s10], $0x3E80  }
0x49: {  	[sflag:s10] =	ssyncset.done $0x0  }
0x4a: {  	s23 =	simm.s32 $0x3A98;
	[sflag:s10] =	ssyncadd.s32 $0xFFFFC180  }
0x4b: {  	[spmem:s2] =	stream.indirect.scatter.add.f32 [tilespmem:s13], [sflag:$0x3], $0x10, s23, s11, $0xb8;
	[tilespmem:$0xF320] =	vst v63  }
0x4c: {  	_ =	swait.ge [sflag:s6], $0x3E80  }
0x4d: {  	[sflag:s6] =	ssyncset.done $0x0  }
0x4e: {  	s24 =	simm.s32 $0x1B58;
	[sflag:s6] =	ssyncadd.s32 $0xFFFFC180  }
0x4f: {  	[tilespmem:s13], [sflag:$0x2] =	stream.indirect.gather [hbm4b:s4+s11], $0x10, s24, s11, $0xb8;
	[tilespmem:$0xF320] =	vst v63  }
0x50: {  	_ =	swait.ge [sflag:s9], $0x3E80  }
0x51: {  	[sflag:s9] =	ssyncset.done $0x0  }
0x52: {  	s25 =	simm.s32 $0x3E80;
	[sflag:s9] =	ssyncadd.s32 $0xFFFFC180  }
0x53: {  	[spmem:s2] =	stream.indirect.scatter.add.f32 [tilespmem:s12], [sflag:$0x3], $0x10, s25, s11, $0xb8;
	[tilespmem:$0xF320] =	vst v63  }
0x54: {  	_ =	swait.ge [sflag:s6], $0x3E80  }
0x55: {  	[sflag:s6] =	ssyncset.done $0x0  }
0x56: {  	s26 =	simm.s32 $0x1F40;
	[sflag:s6] =	ssyncadd.s32 $0xFFFFC180  }
0x57: {  	[tilespmem:s12], [sflag:$0x1] =	stream.indirect.gather [hbm4b:s4+s11], $0x10, s26, s11, $0xb8;
	[tilespmem:$0xF320] =	vst v63  }
0x58: {  	_ =	swait.ge [sflag:s10], $0x3E80  }
0x59: {  	[sflag:s10] =	ssyncset.done $0x0  }
0x5a: {  	s28 =	simm.s32 $0x4268;
	[sflag:s10] =	ssyncadd.s32 $0xFFFFC180  }
0x5b: {  	[spmem:s2] =	stream.indirect.scatter.add.f32 [tilespmem:s13], [sflag:$0x3], $0x10, s28, s11, $0xb8;
	[tilespmem:$0xF320] =	vst v63  }
0x5c: {  	_ =	swait.ge [sflag:s6], $0x3E80  }
0x5d: {  	[sflag:s6] =	ssyncset.done $0x0  }
0x5e: {  	s29 =	simm.s32 $0x2328;
	[sflag:s6] =	ssyncadd.s32 $0xFFFFC180  }
0x5f: {  	[tilespmem:s13], [sflag:$0x2] =	stream.indirect.gather [hbm4b:s4+s11], $0x10, s29, s11, $0xb8;
	[tilespmem:$0xF320] =	vst v63  }
0x60: {  	_ =	swait.ge [sflag:s9], $0x3E80  }
0x61: {  	[sflag:s9] =	ssyncset.done $0x0  }
0x62: {  	s30 =	simm.s32 $0x4650;
	[sflag:s9] =	ssyncadd.s32 $0xFFFFC180  }
0x63: {  	[spmem:s2] =	stream.indirect.scatter.add.f32 [tilespmem:s12], [sflag:$0x3], $0x10, s30, s11, $0xb8;
	[tilespmem:$0xF320] =	vst v63  }
0x64: {  	_ =	swait.ge [sflag:s6], $0x3E80  }
0x65: {  	[sflag:s6] =	ssyncset.done $0x0  }
0x66: {  	[sflag:s6] =	ssyncadd.s32 $0xFFFFC180  }
0x67: {  	s1 =	ssub.s32 $0x2, s1;
	_ =	swait.ge [sflag:s10], $0x3E80  }
0x68: {  	s15 =	sshrl.u32 s1, $0x1;
	[sflag:s10] =	ssyncset.done $0x0  }
0x69: {  	s31 =	simm.s32 $0x4A38;
	s0 =	ssub.s32 s1, s15;
	[sflag:s10] =	ssyncadd.s32 $0xFFFFC180  }
0x6a: {  	[spmem:s2] =	stream.indirect.scatter.add.f32 [tilespmem:s13], [sflag:$0x3], $0x10, s31, s11, $0xb8;
	[tilespmem:$0xF320] =	vst v63  }
0x6b: {  	s0 =	smax.u32 s0, $0x1;
	_ =	swait.ge [sflag:s6], $0x3E80  }
0x6c: {  	p0 =	sne.s32 s0, $0x1;
	[sflag:s6] =	ssyncset.done $0x0  }
.Ltmp0:
0x6d: {  	[sflag:s6] =	ssyncadd.s32 $0xFFFFC180;
	(pc) =	sbr.rel @!p0 .LBB2_2-.Ltmp0, $4  }
0x6e: {  	[bflag:$0x0] =	sbarrier.arrive $0xFFFF  }
0x6f: {  	s14 =	rddreg [dreg:$0x6]  }
0x70: {  	[hbm:s14], [sflag:s5] =	dma.local [spmem:s8], $0x500  }
0x71: {  	s1 =	sadd.s32 $0xFFFFFFFF, s0;
	_ =	swait.ge [sflag:s6], $0x500  }
.LBB2_1:
0x72: {  	s0 =	rddreg [dreg:$0x3];
	[sflag:s6] =	ssyncset.done $0x0  }
0x73: {  	s14 =	rddreg [dreg:$0x5];
	[sflag:s6] =	ssyncadd.s32 $0xFFFFFB00  }
0x74: {  	[tilespmem:s3], [sflag:$0x1] =	stream.linear.gather [hbm4b:s0+s3], $0x2710, $0x38;
	[tilespmem:$0xF320] =	vst v63  }
0x75: {  	s15 =	rddreg [dreg:$0x4]  }
0x76: {  	[tilespmem:s7], [sflag:$0x2] =	stream.linear.gather [hbm4b:s15+s3], $0x2710, $0x38;
	[tilespmem:$0xF320] =	vst v63  }
0x77: {  	[spmem:s8], [sflag:s5] =	dma.local [hbm:s14], $0x500  }
0x78: {  	_ =	swait.ge [sflag:s6], $0x500  }
0x79: {  	[sflag:s6] =	ssyncset.done $0x0  }
0x7a: {  	[sflag:s6] =	ssyncadd.s32 $0xFFFFFB00  }
0x7b: {  	_ =	swait.ge [sflag:s9], $0x2710  }
0x7c: {  	[sflag:s9] =	ssyncset.done $0x0  }
0x7d: {  	[sflag:s9] =	ssyncadd.s32 $0xFFFFD8F0  }
0x7e: {  	_ =	swait.ge [sflag:s10], $0x2710  }
0x7f: {  	[sflag:s10] =	ssyncset.done $0x0  }
0x80: {  	[sflag:s10] =	ssyncadd.s32 $0xFFFFD8F0  }
0x81: {  	[bflag:$0x0] =	sbarrier.arrive $0xFFFF  }
0x82: {  	[tilespmem:s12], [sflag:$0x1] =	stream.indirect.gather [hbm4b:s4+s11], $0x10, s3, s11, $0xb8;
	[tilespmem:$0xF320] =	vst v63  }
0x83: {  	_ = 	snop  }
0x84: {  	[tilespmem:s13], [sflag:$0x2] =	stream.indirect.gather [hbm4b:s4+s11], $0x10, s11, s11, $0xb8;
	[tilespmem:$0xF320] =	vst v63  }
0x85: {  	_ =	swait.ge [sflag:s9], $0x3E80  }
0x86: {  	[sflag:s9] =	ssyncset.done $0x0  }
0x87: {  	[sflag:s9] =	ssyncadd.s32 $0xFFFFC180  }
0x88: {  	[spmem:s2] =	stream.indirect.scatter.add.f32 [tilespmem:s12], [sflag:$0x3], $0x10, s7, s11, $0xb8;
	[tilespmem:$0xF320] =	vst v63  }
0x89: {  	_ =	swait.ge [sflag:s6], $0x3E80  }
0x8a: {  	[sflag:s6] =	ssyncset.done $0x0  }
0x8b: {  	s15 =	simm.s32 $0x7D0;
	[sflag:s6] =	ssyncadd.s32 $0xFFFFC180  }
0x8c: {  	[tilespmem:s12], [sflag:$0x1] =	stream.indirect.gather [hbm4b:s4+s11], $0x10, s15, s11, $0xb8;
	[tilespmem:$0xF320] =	vst v63  }
0x8d: {  	_ =	swait.ge [sflag:s10], $0x3E80  }
0x8e: {  	[sflag:s10] =	ssyncset.done $0x0  }
0x8f: {  	s14 =	simm.s32 $0x2AF8;
	[sflag:s10] =	ssyncadd.s32 $0xFFFFC180  }
0x90: {  	[spmem:s2] =	stream.indirect.scatter.add.f32 [tilespmem:s13], [sflag:$0x3], $0x10, s14, s11, $0xb8;
	[tilespmem:$0xF320] =	vst v63  }
0x91: {  	_ =	swait.ge [sflag:s6], $0x3E80  }
0x92: {  	[sflag:s6] =	ssyncset.done $0x0  }
0x93: {  	[sflag:s6] =	ssyncadd.s32 $0xFFFFC180  }
0x94: {  	[tilespmem:s13], [sflag:$0x2] =	stream.indirect.gather [hbm4b:s4+s11], $0x10, s16, s11, $0xb8;
	[tilespmem:$0xF320] =	vst v63  }
0x95: {  	_ =	swait.ge [sflag:s9], $0x3E80  }
0x96: {  	[sflag:s9] =	ssyncset.done $0x0  }
0x97: {  	[sflag:s9] =	ssyncadd.s32 $0xFFFFC180  }
0x98: {  	[spmem:s2] =	stream.indirect.scatter.add.f32 [tilespmem:s12], [sflag:$0x3], $0x10, s17, s11, $0xb8;
	[tilespmem:$0xF320] =	vst v63  }
0x99: {  	_ =	swait.ge [sflag:s6], $0x3E80  }
0x9a: {  	[sflag:s6] =	ssyncset.done $0x0  }
0x9b: {  	[sflag:s6] =	ssyncadd.s32 $0xFFFFC180  }
0x9c: {  	[tilespmem:s12], [sflag:$0x1] =	stream.indirect.gather [hbm4b:s4+s11], $0x10, s18, s11, $0xb8;
	[tilespmem:$0xF320] =	vst v63  }
0x9d: {  	_ =	swait.ge [sflag:s10], $0x3E80  }
0x9e: {  	[sflag:s10] =	ssyncset.done $0x0  }
0x9f: {  	[sflag:s10] =	ssyncadd.s32 $0xFFFFC180  }
0xa0: {  	[spmem:s2] =	stream.indirect.scatter.add.f32 [tilespmem:s13], [sflag:$0x3], $0x10, s19, s11, $0xb8;
	[tilespmem:$0xF320] =	vst v63  }
0xa1: {  	_ =	swait.ge [sflag:s6], $0x3E80  }
0xa2: {  	[sflag:s6] =	ssyncset.done $0x0  }
0xa3: {  	[sflag:s6] =	ssyncadd.s32 $0xFFFFC180  }
0xa4: {  	[tilespmem:s13], [sflag:$0x2] =	stream.indirect.gather [hbm4b:s4+s11], $0x10, s20, s11, $0xb8;
	[tilespmem:$0xF320] =	vst v63  }
0xa5: {  	_ =	swait.ge [sflag:s9], $0x3E80  }
0xa6: {  	[sflag:s9] =	ssyncset.done $0x0  }
0xa7: {  	[sflag:s9] =	ssyncadd.s32 $0xFFFFC180  }
0xa8: {  	[spmem:s2] =	stream.indirect.scatter.add.f32 [tilespmem:s12], [sflag:$0x3], $0x10, s21, s11, $0xb8;
	[tilespmem:$0xF320] =	vst v63  }
0xa9: {  	_ =	swait.ge [sflag:s6], $0x3E80  }
0xaa: {  	[sflag:s6] =	ssyncset.done $0x0  }
0xab: {  	[sflag:s6] =	ssyncadd.s32 $0xFFFFC180  }
0xac: {  	[tilespmem:s12], [sflag:$0x1] =	stream.indirect.gather [hbm4b:s4+s11], $0x10, s22, s11, $0xb8;
	[tilespmem:$0xF320] =	vst v63  }
0xad: {  	_ =	swait.ge [sflag:s10], $0x3E80  }
0xae: {  	[sflag:s10] =	ssyncset.done $0x0  }
0xaf: {  	[sflag:s10] =	ssyncadd.s32 $0xFFFFC180  }
0xb0: {  	[spmem:s2] =	stream.indirect.scatter.add.f32 [tilespmem:s13], [sflag:$0x3], $0x10, s23, s11, $0xb8;
	[tilespmem:$0xF320] =	vst v63  }
0xb1: {  	_ =	swait.ge [sflag:s6], $0x3E80  }
0xb2: {  	[sflag:s6] =	ssyncset.done $0x0  }
0xb3: {  	[sflag:s6] =	ssyncadd.s32 $0xFFFFC180  }
0xb4: {  	[tilespmem:s13], [sflag:$0x2] =	stream.indirect.gather [hbm4b:s4+s11], $0x10, s24, s11, $0xb8;
	[tilespmem:$0xF320] =	vst v63  }
0xb5: {  	_ =	swait.ge [sflag:s9], $0x3E80  }
0xb6: {  	[sflag:s9] =	ssyncset.done $0x0  }
0xb7: {  	[sflag:s9] =	ssyncadd.s32 $0xFFFFC180  }
0xb8: {  	[spmem:s2] =	stream.indirect.scatter.add.f32 [tilespmem:s12], [sflag:$0x3], $0x10, s25, s11, $0xb8;
	[tilespmem:$0xF320] =	vst v63  }
0xb9: {  	_ =	swait.ge [sflag:s6], $0x3E80  }
0xba: {  	[sflag:s6] =	ssyncset.done $0x0  }
0xbb: {  	[sflag:s6] =	ssyncadd.s32 $0xFFFFC180  }
0xbc: {  	[tilespmem:s12], [sflag:$0x1] =	stream.indirect.gather [hbm4b:s4+s11], $0x10, s26, s11, $0xb8;
	[tilespmem:$0xF320] =	vst v63  }
0xbd: {  	_ =	swait.ge [sflag:s10], $0x3E80  }
0xbe: {  	[sflag:s10] =	ssyncset.done $0x0  }
0xbf: {  	[sflag:s10] =	ssyncadd.s32 $0xFFFFC180  }
0xc0: {  	[spmem:s2] =	stream.indirect.scatter.add.f32 [tilespmem:s13], [sflag:$0x3], $0x10, s28, s11, $0xb8;
	[tilespmem:$0xF320] =	vst v63  }
0xc1: {  	_ =	swait.ge [sflag:s6], $0x3E80  }
0xc2: {  	[sflag:s6] =	ssyncset.done $0x0  }
0xc3: {  	[sflag:s6] =	ssyncadd.s32 $0xFFFFC180  }
0xc4: {  	[tilespmem:s13], [sflag:$0x2] =	stream.indirect.gather [hbm4b:s4+s11], $0x10, s29, s11, $0xb8;
	[tilespmem:$0xF320] =	vst v63  }
0xc5: {  	_ =	swait.ge [sflag:s9], $0x3E80  }
0xc6: {  	[sflag:s9] =	ssyncset.done $0x0  }
0xc7: {  	[sflag:s9] =	ssyncadd.s32 $0xFFFFC180  }
0xc8: {  	[spmem:s2] =	stream.indirect.scatter.add.f32 [tilespmem:s12], [sflag:$0x3], $0x10, s30, s11, $0xb8;
	[tilespmem:$0xF320] =	vst v63  }
0xc9: {  	_ =	swait.ge [sflag:s6], $0x3E80  }
0xca: {  	[sflag:s6] =	ssyncset.done $0x0  }
0xcb: {  	[sflag:s6] =	ssyncadd.s32 $0xFFFFC180  }
0xcc: {  	_ =	swait.ge [sflag:s10], $0x3E80  }
0xcd: {  	[sflag:s10] =	ssyncset.done $0x0  }
0xce: {  	[sflag:s10] =	ssyncadd.s32 $0xFFFFC180  }
0xcf: {  	[spmem:s2] =	stream.indirect.scatter.add.f32 [tilespmem:s13], [sflag:$0x3], $0x10, s31, s11, $0xb8;
	[tilespmem:$0xF320] =	vst v63  }
0xd0: {  	_ =	swait.ge [sflag:s6], $0x3E80  }
0xd1: {  	p0 =	sne.s32 s1, $0x1;
	[sflag:s6] =	ssyncset.done $0x0  }
.Ltmp1:
0xd2: {  	[sflag:s6] =	ssyncadd.s32 $0xFFFFC180;
	(pc) =	sbr.rel @p0 .LBB2_1-.Ltmp1, $4  }
0xd3: {  	[bflag:$0x0] =	sbarrier.arrive $0xFFFF  }
0xd4: {  	s15 =	rddreg [dreg:$0x6]  }
0xd5: {  	[hbm:s15], [sflag:s5] =	dma.local [spmem:s8], $0x500  }
0xd6: {  	s1 =	sadd.s32 $0xFFFFFFFF, s1;
	_ =	swait.ge [sflag:s6], $0x500  }
.LBB2_2:
0xd7: {  	[sflag:s6] =	ssyncset.done $0x0  }
0xd8: {  	[sflag:s6] =	ssyncadd.s32 $0xFFFFFB00  }
0xd9: {  	_ =	sfence.sel $0x180000  }
0xda: {  	[bflag:$0x0] =	sbarrier.arrive $0xFFFF  }
0xdb: {  	_ =	strace $0x9000004D  }
0xdc: {  	s0 =	stileid.u32;
	[bflag:$0x2] =	sbarrier.arrive $0xFFFF  }
0xdd: {  	p0 =	sne.s32 s0, $0x0;
	s0 =	rddreg [dreg:$0x2]  }
0xde: {  	s0 =	sadd.s32 @!p0 $0x100000, s0  }
0xdf: {  	[sflag:s0] =	ssyncadd.tile.s32 @!p0 $0x1;
	_ =	shalt  }
.Lfunc_end2:
_tile_overlayer_lowered:
.L_overlay_start_2:
0xe0: {  	(tag) =	ssettag $0x2  }
0xe1: {  	s0 =	rddreg [dreg:$0x0];
	s2 =	stileid.u32  }
0xe2: {  	s1 =	rddreg [dreg:$0x1];
	p0 =	sne.s32 s2, $0x0  }
0xe3: {  	s3 =	rddreg [dreg:$0x2];
	[bflag:$0x3] =	sbarrier.arrive $0xFFFF;
	s2 =	simm.s32 @!p0 $0x1C03  }
0xe4: {  	[timem:s3], [sflag:s2] =	dma.local @!p0 [hbm:s0], s1  }
0xe5: {  	s0 =	simm.s32 @!p0 $0x3  }
0xe6: {  	_ =	swait.ge @!p0 [sflag:s0], s1  }
0xe7: {  	s1 =	ssub.s32 @!p0 $0x0, s1;
	[sflag:s0] =	ssyncset.done @!p0 $0x0  }
0xe8: {  	[sflag:s0] =	ssyncadd.s32 @!p0 s1  }
0xe9: {  	[bflag:$0x3] =	sbarrier.arrive $0xFFFF  }
0xea: {  	_ =	shalt  }

// kernel: kernel.8.cloned.1.call-start
scs
__scs_entry_jumppad:
0x0: {  	(pc) =	sbr.rel $0x88, $3  }
0x1: {  	(tag) =	ssettag $0x0;
	lr =	simm.s32 $0x1  }
0x2: {  	[smem:$0x3F99] =	sst lr;
	_ =	strace $0xD0000000  }
0x3: {  	_ = 	snop  }
0x4: {  	_ = 	snop  }
0x5: {  	_ = 	snop  }
0x6: {  	_ = 	snop  }
0x7: {  	_ = 	snop  }
__scs_overlays_trampoline_lowered:
0x8: {  	[smem:$0x3FA8] =	sst s0  }
0x9: {  	[smem:$0x3FA9] =	sst s1  }
0xa: {  	[smem:$0x3FAA] =	sst s2  }
0xb: {  	[smem:$0x3FAB] =	sst s3  }
0xc: {  	[smem:$0x3FAC] =	sst s4  }
0xd: {  	[smem:$0x3FAD] =	sst s5  }
0xe: {  	[smem:$0x3FAE] =	sst s6  }
0xf: {  	[smem:$0x3FAF] =	sst s7  }
0x10: {  	[smem:$0x3FB0] =	sst s8  }
0x11: {  	[smem:$0x3FB1] =	sst s9;
	s0 =	simm.s32 @!p0 $0x0  }
0x12: {  	s1 =	sld [smem:$0x3F97];
	s0 =	simm.s32 @p0 $0x1  }
0x13: {  	[smem:$0x3FB2] =	sst s0;
	s0 =	simm.s32 @!p1 $0x0  }
0x14: {  	s2 =	sld [smem:$0x3F96];
	s0 =	simm.s32 @p1 $0x1  }
0x15: {  	[smem:$0x3FB3] =	sst s0;
	s0 =	simm.s32 @!p2 $0x0  }
0x16: {  	s3 =	sld [smem:$0x3FDB];
	s0 =	simm.s32 @p2 $0x1  }
0x17: {  	s4 =	simm.s32 $0x1BF5;
	[smem:$0x3FB5] =	sst s0  }
0x18: {  	s0 =	sld [smem:$0x3F98];
	_ =	swait.ge [sflag:s4], $0x0  }
0x19: {  	s7 =	sld [smem:$0x3F99]  }
0x1a: {  	s8 =	sadd.s32 $0xFFFFE003, lr  }
0x1b: {  	s9 =	sadd.s32 $0xFFFFFEF7, lr;
	s5 =	simm.s32 $0xFFFFFFFF;
	p2 =	slt.u32 s8, $0xFFFFF086  }
0x1c: {  	p1 =	slt.u32 s9, $0xF7A;
	s5 =	simm.s32 @!p2 $0x0  }
0x1d: {  	s5 =	simm.s32 @p1 $0x1;
	p0 =	seq.s32 s7, s2  }
0x1e: {  	s7 =	smul.u32 @!p0 $0xF7A, s2;
	p2 =	seq.s32 @!p0 s5, $0x0  }
0x1f: {  	s9 =	smul.u32 $0xF7A, s1;
	s8 =	simm.s32 @!p0 $0x1BF5;
	p2 =	por !p2, p0  }
0x20: {  	[sflag:s8] =	ssyncset.s32 @!p0 $0xFFFFF086;
	s6 =	sadd.s32 @!p0 s3, s7;
	s7 =	simm.s32 @!p0 $0x108  }
0x21: {  	s3 =	sadd.s32 s3, s9;
	s6 =	sadd.s32 @!p0 $0x88, s6;
	s7 =	simm.s32 @p2 $0x1082  }
0x22: {  	[simem:s7], [sflag:s8] =	dma.local @!p0 [hbm:s6], $0xF7A  }
0x23: {  	s9 =	sor.u32 $0xD0000000, s2;
	s6 =	simm.s32 $0x108;
	_ =	swait.ge @!p0 [sflag:s8], $0x0  }
0x24: {  	s3 =	sadd.s32 $0x88, s3;
	s6 =	simm.s32 @!p1 $0x1082;
	[sflag:s4] =	ssyncset.s32 $0xFFFFF086  }
0x25: {  	[simem:s6], [sflag:s4] =	dma.local [hbm:s3], $0xF7A  }
0x26: {  	[smem:$0x3F99] =	sst s1;
	(tag) =	ssettag s2;
	_ =	strace s9  }
0x27: {  	s1 =	sld [smem:$0x3FA9]  }
0x28: {  	s2 =	sld [smem:$0x3FAA]  }
0x29: {  	s4 =	sld [smem:$0x3FAC]  }
0x2a: {  	p0 =	seq.s32 s5, $0x0;
	s5 =	sld [smem:$0x3FAD]  }
0x2b: {  	s6 =	sld [smem:$0x3FAE]  }
0x2c: {  	s7 =	sld [smem:$0x3FAF]  }
0x2d: {  	s3 =	simm.s32 $0x108;
	s8 =	sld [smem:$0x3FB0]  }
0x2e: {  	s3 =	simm.s32 @!p0 $0x1082;
	s9 =	sld [smem:$0x3FB1]  }
0x2f: {  	lr =	sadd.s32 s0, s3;
	s0 =	sld [smem:$0x3FA8]  }
0x30: {  	s3 =	sld [smem:$0x3FAB]  }
0x31: {  	[smem:$0x3FB4] =	sst s10  }
0x32: {  	s10 =	sld [smem:$0x3FB2];
	_ =	sdelay $0x3  }
0x33: {  	p0 =	seq.s32 s10, $0x1;
	s10 =	sld [smem:$0x3FB4];
	_ =	sdelay $0x3  }
0x34: {  	[smem:$0x3FB4] =	sst s10  }
0x35: {  	s10 =	sld [smem:$0x3FB3];
	_ =	sdelay $0x3  }
0x36: {  	p1 =	seq.s32 s10, $0x1;
	s10 =	sld [smem:$0x3FB4];
	_ =	sdelay $0x3  }
0x37: {  	[smem:$0x3FB4] =	sst s10  }
0x38: {  	s10 =	sld [smem:$0x3FB5]  }
0x39: {  	_ = 	snop;
	(pc) =	sbr.ind lr, $3  }
0x3a: {  	_ = 	snop  }
0x3b: {  	_ = 	snop  }
0x3c: {  	p2 =	seq.s32 s10, $0x1;
	s10 =	sld [smem:$0x3FB4]  }
0x3d: {  	_ =	shalt  }
0x3e: {  	_ =	shalt  }
0x3f: {  	_ =	shalt  }
0x40: {  	_ =	shalt  }
0x41: {  	_ =	shalt  }
0x42: {  	_ =	shalt  }
0x43: {  	_ =	shalt  }
0x44: {  	_ =	shalt  }
0x45: {  	_ =	shalt  }
0x46: {  	_ =	shalt  }
0x47: {  	_ =	shalt  }
0x48: {  	_ =	shalt  }
0x49: {  	_ =	shalt  }
0x4a: {  	_ =	shalt  }
0x4b: {  	_ =	shalt  }
0x4c: {  	_ =	shalt  }
0x4d: {  	_ =	shalt  }
0x4e: {  	_ =	shalt  }
0x4f: {  	_ =	shalt  }
0x50: {  	_ =	shalt  }
0x51: {  	_ =	shalt  }
0x52: {  	_ =	shalt  }
0x53: {  	_ =	shalt  }
0x54: {  	_ =	shalt  }
0x55: {  	_ =	shalt  }
0x56: {  	_ =	shalt  }
0x57: {  	_ =	shalt  }
0x58: {  	_ =	shalt  }
0x59: {  	_ =	shalt  }
0x5a: {  	_ =	shalt  }
0x5b: {  	_ =	shalt  }
0x5c: {  	_ =	shalt  }
0x5d: {  	_ =	shalt  }
0x5e: {  	_ =	shalt  }
0x5f: {  	_ =	shalt  }
0x60: {  	_ =	shalt  }
0x61: {  	_ =	shalt  }
0x62: {  	_ =	shalt  }
0x63: {  	_ =	shalt  }
0x64: {  	_ =	shalt  }
0x65: {  	_ =	shalt  }
0x66: {  	_ =	shalt  }
0x67: {  	_ =	shalt  }
0x68: {  	_ =	shalt  }
0x69: {  	_ =	shalt  }
0x6a: {  	_ =	shalt  }
0x6b: {  	_ =	shalt  }
0x6c: {  	_ =	shalt  }
0x6d: {  	_ =	shalt  }
0x6e: {  	_ =	shalt  }
0x6f: {  	_ =	shalt  }
0x70: {  	_ =	shalt  }
0x71: {  	_ =	shalt  }
0x72: {  	_ =	shalt  }
0x73: {  	_ =	shalt  }
0x74: {  	_ =	shalt  }
0x75: {  	_ =	shalt  }
0x76: {  	_ =	shalt  }
0x77: {  	_ =	shalt  }
0x78: {  	_ =	shalt  }
0x79: {  	_ =	shalt  }
0x7a: {  	_ =	shalt  }
0x7b: {  	_ =	shalt  }
0x7c: {  	_ =	shalt  }
0x7d: {  	_ =	shalt  }
0x7e: {  	_ =	shalt  }
0x7f: {  	_ =	shalt  }
0x80: {  	_ =	shalt  }
0x81: {  	_ =	shalt  }
0x82: {  	_ =	shalt  }
0x83: {  	_ =	shalt  }
0x84: {  	_ =	shalt  }
0x85: {  	_ =	shalt  }
0x86: {  	_ =	shalt  }
0x87: {  	_ =	shalt  }
.Lfunc_end0:
.L_simem_size_0:
called_computation_lowered:
.L_overlay_start_0:
0x88: {  	s2 =	sld [smem:$0x3FD9]  }
0x89: {  	s3 =	sld [smem:$0x3FFE];
	_ =	sdelay $0x1  }
0x8a: {  	s1 =	srdreg.scid  }
0x8b: {  	s0 =	sand.u32 $0x1, s1  }
0x8c: {  	s16 =	sshll.u32 s0, $0xA;
	s2 =	sadd.s32 s3, s2  }
0x8d: {  	s2 =	sadd.s32 s2, s16  }
0x8e: {  	[smem:$0x3FC0] =	sst s2  }
0x8f: {  	_ = 	snop  }
0x90: {  	(tm) =	ssettm $0x1  }
0x91: {  	s17 =	sld [smem:$0x3FFB];
	_ =	sdelay $0x3  }
0x92: {  	_ =	strace s17  }
0x93: {  	s2 =	sld [smem:$0x3FFC];
	_ =	sdelay $0x3  }
0x94: {  	_ =	strace s2  }
0x95: {  	s2 =	sld [smem:$0x3FFD];
	_ =	sdelay $0x3  }
0x96: {  	_ =	strace s2  }
0x97: {  	_ =	strace $0x8FFFFFFF  }
0x98: {  	s18 =	sld [smem:$0x3FDB];
	_ =	sdelay $0x1  }
0x99: {  	s19 =	simm.s32 $_scs_section_size  }
0x9a: {  	s4 =	simm.s32 $_size__tile_overlayer_lowered;
	s5 =	simm.s32 $_tile_overlayer_lowered  }
0x9b: {  	s22 =	simm.s32 $0x1BFF;
	s21 =	sshll.u32 s5, $0x1;
	s2 =	sadd.s32 s19, s18  }
0x9c: {  	s6 =	simm.s32 $0x0;
	s20 =	sshll.u32 s4, $0x1;
	s4 =	sadd.s32 s21, s2  }
0x9d: {  	[timem:s6], [sflag:s22] =	dma.local [hbm:s4], s20  }
0x9e: {  	_ =	swait.ge [sflag:s22], s20  }
0x9f: {  	s3 =	ssub.s32 $0x0, s20;
	[sflag:s22] =	ssyncset.done $0x0  }
0xa0: {  	[sflag:s22] =	ssyncadd.s32 s3;
	_ =	sdelay $0x1  }
0xa1: {  	s23 =	simm.s32 $0x1B8B  }
0xa2: {  	_ =	swait.ge [sflag:s23], $0x1  }
0xa3: {  	[sflag:s23] =	ssyncset.done $0x0  }
0xa4: {  	s25 =	simm.s32 $0x1B8E;
	s24 =	sld [smem:$0x3FFE];
	[sflag:s23] =	ssyncadd.s32 $0xFFFFFFFF  }
0xa5: {  	s26 =	simm.s32 $execute0_lowered;
	[smem:$0x3FD2] =	sst s25  }
0xa6: {  	s4 =	sshll.u32 s26, $0x1;
	_ =	strace $0x80000046;
	[dreg:$0x1] =	wrdreg $0xFFFFFFFF  }
0xa7: {  	s28 =	simm.s32 $_size_execute0_lowered;
	s2 =	sadd.s32 s2, s4;
	[dreg:$0x0] =	wrdreg $0x0  }
0xa8: {  	s4 =	sshll.u32 s28, $0x1;
	[dreg:$0x2] =	wrdreg s2  }
0xa9: {  	[dreg:$0x3] =	wrdreg s4  }
0xaa: {  	[dreg:$0x4] =	wrdreg $0xC0  }
0xab: {  	_ =	task [dreg:s6], $0x5FFFF  }
0xac: {  	[dreg:$0x1] =	wrdreg $0xFFFFFFFF  }
0xad: {  	[dreg:$0x0] =	wrdreg $0x60  }
0xae: {  	[dreg:$0x2] =	wrdreg s24  }
0xaf: {  	[dreg:$0x3] =	wrdreg $0x9  }
0xb0: {  	_ =	task.clear_ibuf [dreg:s6], $0x4FFFF;
	_ =	strace $0x90000046  }
0xb1: {  	s29 =	simm.s32 $0x9;
	_ =	strace $0x80000048  }
0xb2: {  	_ =	swait.ge [sflag:s29], $0x1  }
0xb3: {  	[sflag:s29] =	ssyncadd.s32 $0xFFFFFFFF  }
0xb4: {  	_ =	strace $0x90000048  }
0xb5: {  	_ =	sfence  }
0xb6: {  	s30 =	sld [smem:$0x0];
	_ =	sdelay $0x2  }
0xb7: {  	s31 =	sshll.u32 s1, $0xD;
	s1 =	sshrl.u32 s1, $0x2  }
0xb8: {  	s3 =	sand.u32 $0x4000, s31;
	s1 =	sadd.s32 s1, s30  }
0xb9: {  	s0 =	sor.u32 s3, s0;
	s1 =	sshll.u32 s1, $0x11  }
0xba: {  	s0 =	sor.u32 s1, s0  }
0xbb: {  	s0 =	sadd.s32 $0x8F2B, s0  }
0xbc: {  	[sflag:s0] =	ssyncadd.remote.s32 $0x1  }
0xbd: {  	_ =	sfence.sel $0xFFFF  }
0xbe: {  	[dreg:$0x0] =	wrdreg $0xFFFFFFFF;
	(pc) =	sbr.abs _section_cstart, $3  }
0xbf: {  	[dreg:$0x1] =	wrdreg $0xFFFFFFFF  }
0xc0: {  	_ =	task.clear_ibuf [dreg:s6], $0x2FFFF;
	_ =	strace $0x9FFFFFFF  }
0xc1: {  	(tm) =	ssettm $0x7FFFFFFF  }
tec
execute0_lowered:
.L_overlay_start_1:
0x0: {  	(tag) =	ssettag $0x1  }
0x1: {  	s0 =	srdreg.scid  }
0x2: {  	s4 =	rddreg [dreg:$0x0];
	s3 =	sand.u32 $0x1, s0  }
0x3: {  	s2 =	simm.s32 $0x0;
	s0 =	stileid.u32;
	s1 =	sshll.u32 s3, $0x4  }
0x4: {  	s8 =	simm.s32 $0x2;
	s9 =	simm.s32 $0x0;
	s5 =	sor.u32 s0, s1  }
0x5: {  	[smem:$0x7FF] =	sst s2;
	s3 =	ssub.s32 $0x2, s3;
	s6 =	smul.u32 $0x4E2, s5  }
0x6: {  	s1 =	rddreg [dreg:$0x1];
	s7 =	sshrl.u32 s3, $0x1;
	s5 =	smul.u32 $0x500, s5  }
0x7: {  	_ =	strace $0x80000047;
	s31 =	ssub.s32 s3, s7;
	s7 =	simm.s32 $0x2710  }
0x8: {  	s6 =	sadd.s32 s6, s4;
	s4 =	sadd.s32 s5, s4;
	s5 =	smax.u32 s31, $0x1  }
0x9: {  	v0 =	vimm.f32 $0.0e+00;
	v1 =	vimm.f32 $1.000000000e+00;
	s3 =	sadd.s32 $0xB000, s6;
	s4 =	sadd.s32 $0x14E00, s4;
	s6 =	simm.s32 $0x1  }
.LBB2_1:
0xa: {  	[tilespmem:s2], [sflag:$0x1] =	stream.linear.gather [hbm4b:s3+s2], $0x2710, $0x38;
	[tilespmem:$0x4F10] =	vst v63  }
0xb: {  	s11 =	simm.s32 $0x140;
	s10 =	simm.s32 $0x0  }
.LBB2_2:
0xc: {  	p0 =	sne.s32 s11, $0x9EC0;
	[tilespmem:s10+$0x2750] =	vst v0;
	s12 =	smov.u32 s11;
	s11 =	sadd.s32 $0x140, s11  }
.Ltmp0:
0xd: {  	[tilespmem:s10+$0x2740] =	vst v0;
	(pc) =	sbr.rel @p0 .LBB2_2-.Ltmp0, $4  }
0xe: {  	[tilespmem:s10+$0x2730] =	vst v0  }
0xf: {  	[tilespmem:s10+$0x2710] =	vst v0  }
0x10: {  	[tilespmem:s10+$0x2720] =	vst v0  }
0x11: {  	s10 =	sshra.s32 s12, $0x2  }
0x12: {  	[tilespmem:s10+$0x2750] =	vst v0  }
0x13: {  	[tilespmem:s10+$0x2740] =	vst v0  }
0x14: {  	[tilespmem:s10+$0x2730] =	vst v0  }
0x15: {  	[tilespmem:s10+$0x2710] =	vst v0  }
0x16: {  	[tilespmem:s10+$0x2720] =	vst v0  }
0x17: {  	_ =	swait.ge [sflag:s6], $0x2710  }
0x18: {  	[sflag:s6] =	ssyncset.done $0x0  }
0x19: {  	s10 =	simm.s32 $0x0;
	[sflag:s6] =	ssyncadd.s32 $0xFFFFD8F0  }
.LBB2_4:
0x1a: {  	s11 =	sshra.s32 s10, $0x2  }
0x1b: {  	v2 =	vld [tilespmem:s11+$0x0];
	_ =	sdelay $0x7  }
0x1c: {  	[tilespmem:v2+s7+$0x0] =	vst.idx.add.f32.msk $0xffff, v1  }
0x1d: {  	v2 =	vld [tilespmem:s11+$0x10];
	_ =	sdelay $0x7  }
0x1e: {  	[tilespmem:v2+s7+$0x0] =	vst.idx.add.f32.msk $0xffff, v1  }
0x1f: {  	v2 =	vld [tilespmem:s11+$0x20];
	_ =	sdelay $0x7  }
0x20: {  	[tilespmem:v2+s7+$0x0] =	vst.idx.add.f32.msk $0xffff, v1  }
0x21: {  	v2 =	vld [tilespmem:s11+$0x30];
	_ =	sdelay $0x7  }
0x22: {  	[tilespmem:v2+s7+$0x0] =	vst.idx.add.f32.msk $0xffff, v1  }
0x23: {  	v2 =	vld [tilespmem:s11+$0x40];
	_ =	sdelay $0x2  }
0x24: {  	p0 =	sne.s32 s10, $0x9B00  }
.Ltmp1:
0x25: {  	_ = 	snop;
	(pc) =	sbr.rel @p0 .LBB2_4-.Ltmp1, $2  }
0x26: {  	_ =	sdelay $0x2  }
0x27: {  	s10 =	sadd.s32 $0x140, s10;
	[tilespmem:v2+s7+$0x0] =	vst.idx.add.f32.msk $0xffff, v1  }
0x28: {  	s9 =	sadd.s32 $0x1, s9  }
0x29: {  	p0 =	sne.s32 s9, s5  }
.Ltmp2:
0x2a: {  	_ = 	snop;
	(pc) =	sbr.rel @p0 .LBB2_1-.Ltmp2, $4  }
0x2b: {  	[hbm4b:s4+s2] =	stream.linear.scatter [tilespmem:s7], [sflag:$0x2], $0x2800, $0x38;
	[tilespmem:$0x4F10] =	vst v63  }
0x2c: {  	_ =	swait.ge [sflag:s8], $0x2800  }
0x2d: {  	[sflag:s8] =	ssyncset.done $0x0  }
0x2e: {  	[sflag:s8] =	ssyncadd.s32 $0xFFFFD800  }
0x2f: {  	_ =	sfence.sel $0x180000  }
0x30: {  	[bflag:$0x0] =	sbarrier.arrive $0xFFFF  }
0x31: {  	p0 =	sne.s32 s0, $0x0;
	_ =	strace $0x90000047  }
0x32: {  	s0 =	sadd.s32 @!p0 $0x100000, s1;
	[bflag:$0x2] =	sbarrier.arrive $0xFFFF  }
0x33: {  	[sflag:s0] =	ssyncadd.tile.s32 @!p0 $0x1;
	_ =	shalt  }
.Lfunc_end2:
_tile_overlayer_lowered:
.L_overlay_start_2:
0x34: {  	(tag) =	ssettag $0x2  }
0x35: {  	s0 =	rddreg [dreg:$0x0];
	s2 =	stileid.u32  }
0x36: {  	s1 =	rddreg [dreg:$0x1];
	p0 =	sne.s32 s2, $0x0  }
0x37: {  	s3 =	rddreg [dreg:$0x2];
	[bflag:$0x3] =	sbarrier.arrive $0xFFFF;
	s2 =	simm.s32 @!p0 $0x1C02  }
0x38: {  	[timem:s3], [sflag:s2] =	dma.local @!p0 [hbm:s0], s1  }
0x39: {  	s0 =	simm.s32 @!p0 $0x2  }
0x3a: {  	_ =	swait.ge @!p0 [sflag:s0], s1  }
0x3b: {  	s1 =	ssub.s32 @!p0 $0x0, s1;
	[sflag:s0] =	ssyncset.done @!p0 $0x0  }
0x3c: {  	[sflag:s0] =	ssyncadd.s32 @!p0 s1  }
0x3d: {  	[bflag:$0x3] =	sbarrier.arrive $0xFFFF  }
0x3e: {  	_ =	shalt  }

</sc_bundles>
